<compile_context>
chip_gen: v7x
topology: tpu7x:2x2x1
jax: 0.10.2.dev20260603
libtpu: 0.0.44.dev20260713+nightly
codegen_flags: <defaults>
</compile_context>

<pallas_src>
import jax
import jax.numpy as jnp
from jax.experimental import pallas as pl
from jax.experimental.pallas import tpu as pltpu
from jax.experimental.pallas import tpu_sc as plsc

_K = 8192
_H = 32
_TILE = 512
_CHUNK = 4096
_GW = 128


def _vq_body(lhs_ref, rhs_ref, z2_ref, e2_ref, idx_ref, loss_ref):
    i = pl.program_id(0)
    lhs = lhs_ref[...]
    rhs = rhs_ref[...]
    z2 = z2_ref[...]
    e2 = e2_ref[...]
    conv = jax.lax.dot_general(lhs, rhs, (((1,), (1,)), ((), ())),
                               preferred_element_type=jnp.float32)

    lane = jax.lax.broadcasted_iota(jnp.int32, (_TILE, 128), 1)
    run_v = None
    run_i = None
    chosen_v = None
    for c0 in range(0, _K, _CHUNK):
        acc_v = None
        acc_g = None
        for g in range(_CHUNK // 128):
            s = c0 + g * 128
            blk_g = (z2 - conv[:, s:s + 128]) + e2[:, s:s + 128]
            if acc_v is None:
                acc_v = blk_g
                acc_g = jnp.zeros((_TILE, 128), jnp.int32)
            else:
                lt = blk_g < acc_v
                acc_v = jnp.where(lt, blk_g, acc_v)
                acc_g = jnp.where(lt, g, acc_g)
        m = jnp.min(acc_v, axis=1, keepdims=True)
        k = acc_g * 128 + lane
        a = jnp.min(jnp.where(acc_v == m, k, _CHUNK), axis=1,
                    keepdims=True) + c0
        if run_v is None:
            run_v, run_i, chosen_v = m, a, m
        else:
            rb = run_v.astype(jnp.bfloat16).astype(jnp.float32)
            keep_old = (rb < m) | ((rb == m) & (run_i < a))
            run_v = jnp.where(keep_old, rb, m)
            run_i = jnp.where(keep_old, run_i, a)
            chosen_v = jnp.where(keep_old, chosen_v, m)

    idx_ref[0, 0, :] = run_i[:, 0]
    part = jnp.sum(chosen_v).reshape(1, 1)

    @pl.when(i == 0)
    def _init():
        loss_ref[...] = part

    @pl.when(i != 0)
    def _acc():
        loss_ref[...] = loss_ref[...] + part


def _sc_gather(emb_pad, idx_row):
    n = idx_row.shape[1]
    w = emb_pad.shape[1]
    mesh = plsc.VectorSubcoreMesh(core_axis_name="core",
                                  subcore_axis_name="subcore")

    @pl.kernel(out_type=jax.ShapeDtypeStruct((n, w), jnp.float32), mesh=mesh)
    def k(emb_hbm, i_hbm, o_hbm):
        def body(i_vmem, o_vmem):
            pltpu.sync_copy(emb_hbm.at[i_vmem.at[0]], o_vmem)

        pltpu.emit_pipeline(
            body,
            grid=(n // _GW,),
            in_specs=[pl.BlockSpec((1, _GW), index_map=lambda i: (0, i))],
            out_specs=[pl.BlockSpec((_GW, w), index_map=lambda i: (i, 0))],
            core_axis_name=("core", "subcore"),
            dimension_semantics=(pltpu.PARALLEL,),
        )(i_hbm, o_hbm)

    return k(emb_pad, idx_row)


def _vq_tc(lhs, rhs, z2, e2t):
    nrows, h = lhs.shape
    ntiles = nrows // _TILE
    return pl.pallas_call(
        _vq_body,
        grid=(ntiles,),
        in_specs=[
            pl.BlockSpec((_TILE, h), lambda i: (i, 0)),
            pl.BlockSpec((_K, h), lambda i: (0, 0)),
            pl.BlockSpec((_TILE, 1), lambda i: (i, 0)),
            pl.BlockSpec((1, _K), lambda i: (0, 0)),
        ],
        out_specs=[
            pl.BlockSpec((1, 1, _TILE), lambda i: (i, 0, 0)),
            pl.BlockSpec((1, 1), lambda i: (0, 0)),
        ],
        out_shape=[
            jax.ShapeDtypeStruct((ntiles, 1, _TILE), jnp.int32),
            jax.ShapeDtypeStruct((1, 1), jnp.float32),
        ],
    )(lhs, rhs, z2, e2t)


def kernel(z, emb):
    b, t, h = z.shape
    n = b * t
    flat = z.reshape(n, h)
    z2 = jnp.sum(flat ** 2, axis=1, keepdims=True)
    e2t = jnp.sum(emb ** 2, axis=1, keepdims=True).T
    lhs = (2.0 * flat).astype(jnp.bfloat16)
    rhs = emb.astype(jnp.bfloat16)
    emb_pad = jnp.pad(emb, ((0, 0), (0, 128 - h)))

    idx3, loss_sum = _vq_tc(lhs, rhs, z2, e2t)
    zq = _sc_gather(emb_pad, idx3.reshape(1, n))[:, :h]

    z_st = zq.reshape(b, t, h)
    idx = idx3.reshape(b, t)
    loss = loss_sum[0, 0] / jnp.float32(n * h)
    return (z_st, idx, loss, loss)

# --- scband reference (transcript-rebuilt; emitter-appended) ---
"""Pipeline reference for scband-vqcodebook-4681514352959 (READ-ONLY COPY).

The authoritative reference and input builder live on the scoring server;
editing this copy changes nothing except your own understanding.
"""

import jax, jax.numpy as jnp
import numpy as np

CODEBOOK_SIZE = 8192
HIDDEN_SIZE = 32


def setup_inputs(seed: int = 0) -> dict:
    key = jax.random.key(seed)
    k1, k2 = jax.random.split(key)
    z = jax.random.normal(k1, (16, 1024, 32), dtype=jnp.float32)
    emb = 0.02 * jax.random.normal(k2, (CODEBOOK_SIZE, HIDDEN_SIZE), dtype=jnp.float32)
    return {"z": z, "emb": emb}


def reference(z, emb):
    b, t, h = z.shape
    flat = z.reshape(b * t, h)
    dist = (jnp.sum(flat ** 2, axis=1, keepdims=True)
            - 2.0 * flat @ emb.T
            + jnp.sum(emb ** 2, axis=1, keepdims=True).T)
    idx = jnp.argmin(dist, axis=1)
    z_q = jnp.take(emb, idx, axis=0).reshape(b, t, h)
    z_st = z + jax.lax.stop_gradient(z_q - z)
    codebook_loss = jnp.mean((z_q - jax.lax.stop_gradient(z)) ** 2)
    commit_loss = jnp.mean((z - jax.lax.stop_gradient(z_q)) ** 2)
    return (z_st, idx.reshape(b, t), codebook_loss, commit_loss)

if __name__ == "__main__":
    import jax
    _d = setup_inputs()
    print(jax.jit(kernel)(*tuple(_d.values())))

</pallas_src>

<mosaic_0001>
#map = affine_map<(d0, d1) -> (0, 0)>
module attributes {stable_mosaic.version = 14 : i64} {
  func.func @k(%arg0: i32, %arg1: i32, %arg2: memref<8192x128xf32, #tpu.memory_space<hbm>>, %arg3: memref<1x16384xi32, #tpu.memory_space<hbm>>, %arg4: memref<16384x128xf32, #tpu.memory_space<hbm>>) attributes {dimension_semantics = [#tpu.dimension_semantics<core_parallel>, #tpu.dimension_semantics<subcore_parallel>], iteration_bounds = array<i64: 2, 16>, scalar_prefetch = 0 : i64, scratch_operands = 0 : i64, tpu.core_type = #tpu.core_type<sc_vector_subcore>, window_params = [{transform_indices = #map}, {transform_indices = #map}, {transform_indices = #map}]} {
    %mul3A = arith.constant 1 : i32
    %mul3A_0 = arith.muli %arg1, %mul3A : i32
    %add3A = arith.constant 0 : i32
    %add3A_1 = arith.addi %add3A, %mul3A_0 : i32
    %mul3A_2 = arith.constant 16 : i32
    %mul3A_3 = arith.muli %arg0, %mul3A_2 : i32
    %add3A_4 = arith.addi %add3A_1, %mul3A_3 : i32
    %mul3A_5 = arith.constant 4 : i32
    %mul3A_6 = arith.muli %add3A_4, %mul3A_5 : i32
    "tpu.region"() ({
      %run_scoped3A = memref.alloca() : memref<2x1x128xi32, #tpu.memory_space<vmem>>
      %run_scoped3A_7 = tpu.sem_alloc : memref<2x!tpu.dma_semaphore, #tpu.memory_space<semaphore_mem>>
      %run_scoped3A_8 = memref.alloca() : memref<2x128x128xf32, #tpu.memory_space<vmem>>
      %run_scoped3A_9 = tpu.sem_alloc : memref<2x!tpu.dma_semaphore, #tpu.memory_space<semaphore_mem>>
      %add3A_10 = arith.constant 0 : i32
      %add3A_11 = arith.addi %add3A_10, %mul3A_6 : i32
      %select_n3A = arith.constant true
      %select_n3A_12 = arith.constant 0 : i32
      %select_n3A_13 = arith.constant -1 : i32
      %select_n3A_14 = arith.select %select_n3A, %select_n3A_13, %select_n3A_12 : i32
      %eq3A = arith.constant -1 : i32
      %eq3A_15 = arith.cmpi eq, %select_n3A_14, %eq3A : i32
      %select_n3A_16 = arith.constant 3 : i32
      %select_n3A_17 = arith.select %eq3A_15, %select_n3A_16, %select_n3A_14 : i32
      %add3A_18 = arith.addi %select_n3A_17, %mul3A_6 : i32
      %select_n3A_19 = arith.constant true
      %select_n3A_20 = arith.constant 0 : i32
      %select_n3A_21 = arith.constant 1 : i32
      %select_n3A_22 = arith.select %select_n3A_19, %select_n3A_21, %select_n3A_20 : i32
      %eq3A_23 = arith.constant 4 : i32
      %eq3A_24 = arith.cmpi eq, %select_n3A_22, %eq3A_23 : i32
      %select_n3A_25 = arith.constant 0 : i32
      %select_n3A_26 = arith.select %eq3A_24, %select_n3A_25, %select_n3A_22 : i32
      %add3A_27 = arith.addi %select_n3A_26, %mul3A_6 : i32
      %add3A_28 = arith.constant 1 : i32
      %add3A_29 = arith.addi %select_n3A_26, %add3A_28 : i32
      %select_n3A_30 = arith.constant true
      %select_n3A_31 = arith.select %select_n3A_30, %add3A_29, %select_n3A_26 : i32
      %eq3A_32 = arith.constant 4 : i32
      %eq3A_33 = arith.cmpi eq, %select_n3A_31, %eq3A_32 : i32
      %select_n3A_34 = arith.constant 0 : i32
      %select_n3A_35 = arith.select %eq3A_33, %select_n3A_34, %select_n3A_31 : i32
      %add3A_36 = arith.addi %select_n3A_35, %mul3A_6 : i32
      "tpu.trace_start"() <{level = 10 : i32, message = "ep_initialize_0"}> : () -> ()
      %rem3A = arith.constant 0 : i32
      %rem3A_37 = arith.constant 2 : i32
      %rem3A_38 = arith.remui %rem3A, %rem3A_37 : i32
      %mul3A_39 = arith.constant 128 : i32
      %mul3A_40 = arith.muli %mul3A_39, %add3A_11 : i32
      %dma_start3A = arith.constant 0 : i32
      %dma_start3A_41 = arith.constant 0 : i32
      %dma_start3A_42 = tpu.memref_slice %run_scoped3A[%rem3A_38, %dma_start3A, %dma_start3A_41] : memref<2x1x128xi32, #tpu.memory_space<vmem>> -> memref<1x1x128xi32, #tpu.memory_space<vmem>>
      %dma_start3A_43 = tpu.memref_squeeze %dma_start3A_42 : memref<1x1x128xi32, #tpu.memory_space<vmem>> -> memref<1x128xi32, #tpu.memory_space<vmem>>
      %dma_start3A_44 = arith.constant 0 : i32
      %dma_start3A_45 = tpu.memref_slice %arg3[%dma_start3A_44, %mul3A_40] : memref<1x16384xi32, #tpu.memory_space<hbm>> -> memref<1x128xi32, #tpu.memory_space<hbm>>
      %dma_start3A_46 = tpu.memref_slice %run_scoped3A_7[%rem3A_38] : memref<2x!tpu.dma_semaphore, #tpu.memory_space<semaphore_mem>> -> memref<1x!tpu.dma_semaphore, #tpu.memory_space<semaphore_mem>>
      %dma_start3A_47 = tpu.memref_squeeze %dma_start3A_46 : memref<1x!tpu.dma_semaphore, #tpu.memory_space<semaphore_mem>> -> memref<!tpu.dma_semaphore, #tpu.memory_space<semaphore_mem>>
      %dma_start3A_48 = arith.constant 0 : i32
      %dma_start3A_49 = arith.constant 0 : i32
      %dma_start3A_50 = tpu.memref_slice %run_scoped3A[%rem3A_38, %dma_start3A_48, %dma_start3A_49] : memref<2x1x128xi32, #tpu.memory_space<vmem>> -> memref<1x1x128xi32, #tpu.memory_space<vmem>>
      %dma_start3A_51 = tpu.memref_squeeze %dma_start3A_50 : memref<1x1x128xi32, #tpu.memory_space<vmem>> -> memref<1x128xi32, #tpu.memory_space<vmem>>
      %dma_start3A_52 = arith.constant 0 : i32
      %dma_start3A_53 = tpu.memref_slice %arg3[%dma_start3A_52, %mul3A_40] : memref<1x16384xi32, #tpu.memory_space<hbm>> -> memref<1x128xi32, #tpu.memory_space<hbm>>
      tpu.enqueue_dma source(%dma_start3A_53 : memref<1x128xi32, #tpu.memory_space<hbm>>) target(%dma_start3A_51 : memref<1x128xi32, #tpu.memory_space<vmem>>) target_semaphore(%dma_start3A_47 : memref<!tpu.dma_semaphore, #tpu.memory_space<semaphore_mem>>)
      %add3A_54 = arith.constant 0 : i32
      %add3A_55 = arith.constant 1 : i32
      %add3A_56 = arith.addi %add3A_54, %add3A_55 : i32
      %select_n3A_57 = arith.constant true
      %select_n3A_58 = arith.constant 0 : i32
      %select_n3A_59 = arith.select %select_n3A_57, %add3A_56, %select_n3A_58 : i32
      "tpu.trace_stop"() : () -> ()
      %scan3A = arith.constant 0 : i32
      %scan3A_60 = arith.constant 0 : i32
      %scan3A_61 = arith.constant 0 : i32
      %scan3A_62 = arith.constant 0 : i32
      %scan3A_63 = arith.constant 0 : i32
      %scan3A_64 = arith.constant 4 : i32
      %scan3A_65 = arith.addi %scan3A_63, %scan3A_64 : i32
      %scan3A_66 = arith.constant 1 : i32
      %scan3A_67:5 = scf.for %scan3A_121 = %scan3A_63 to %scan3A_65 step %scan3A_66 iter_args(%scan3A_122 = %select_n3A_59, %scan3A_123 = %scan3A, %scan3A_124 = %scan3A_60, %scan3A_125 = %scan3A_61, %scan3A_126 = %scan3A_62) -> (i32, i32, i32, i32, i32)  : i32 {
        %eq3A_127 = arith.constant 0 : i32
        %eq3A_128 = arith.cmpi eq, %scan3A_121, %eq3A_127 : i32
        %eq3A_129 = arith.constant 3 : i32
        %eq3A_130 = arith.cmpi eq, %scan3A_121, %eq3A_129 : i32
        %add3A_131 = arith.addi %scan3A_126, %mul3A_6 : i32
        %sub3A_132 = arith.constant 1 : i32
        %sub3A_133 = arith.subi %scan3A_126, %sub3A_132 : i32
        %select_n3A_134 = arith.constant true
        %select_n3A_135 = arith.select %select_n3A_134, %sub3A_133, %scan3A_126 : i32
        %eq3A_136 = arith.constant -1 : i32
        %eq3A_137 = arith.cmpi eq, %select_n3A_135, %eq3A_136 : i32
        %select_n3A_138 = arith.constant 3 : i32
        %select_n3A_139 = arith.select %eq3A_137, %select_n3A_138, %select_n3A_135 : i32
        %add3A_140 = arith.addi %select_n3A_139, %mul3A_6 : i32
        %add3A_141 = arith.constant 1 : i32
        %add3A_142 = arith.addi %scan3A_126, %add3A_141 : i32
        %select_n3A_143 = arith.constant true
        %select_n3A_144 = arith.select %select_n3A_143, %add3A_142, %scan3A_126 : i32
        %eq3A_145 = arith.constant 4 : i32
        %eq3A_146 = arith.cmpi eq, %select_n3A_144, %eq3A_145 : i32
        %select_n3A_147 = arith.constant 0 : i32
        %select_n3A_148 = arith.select %eq3A_146, %select_n3A_147, %select_n3A_144 : i32
        %add3A_149 = arith.addi %select_n3A_148, %mul3A_6 : i32
        %add3A_150 = arith.constant 1 : i32
        %add3A_151 = arith.addi %select_n3A_148, %add3A_150 : i32
        %select_n3A_152 = arith.constant true
        %select_n3A_153 = arith.select %select_n3A_152, %add3A_151, %select_n3A_148 : i32
        %eq3A_154 = arith.constant 4 : i32
        %eq3A_155 = arith.cmpi eq, %select_n3A_153, %eq3A_154 : i32
        %select_n3A_156 = arith.constant 0 : i32
        %select_n3A_157 = arith.select %eq3A_155, %select_n3A_156, %select_n3A_153 : i32
        %add3A_158 = arith.addi %select_n3A_157, %mul3A_6 : i32
        %ne3A = arith.cmpi ne, %add3A_131, %add3A_149 : i32
        %or3A = arith.constant false
        %or3A_159 = arith.ori %or3A, %ne3A : i1
        %ge3A = arith.constant 3 : i32
        %ge3A_160 = arith.cmpi sge, %scan3A_121, %ge3A : i32
        %not3A = arith.constant true
        %not3A_161 = arith.xori %ge3A_160, %not3A : i1
        %and3A = arith.andi %or3A_159, %not3A_161 : i1
        %convert_element_type3A = arith.extui %and3A : i1 to i32
        %cond3A = arith.constant 0 : i32
        %cond3A_162 = arith.cmpi ne, %convert_element_type3A, %cond3A : i32
        scf.if %cond3A_162 {
          "tpu.trace_start"() <{level = 10 : i32, message = "ep_copy_in"}> : () -> ()
          %rem3A_264 = arith.constant 2 : i32
          %rem3A_265 = arith.remui %scan3A_122, %rem3A_264 : i32
          %mul3A_266 = arith.constant 128 : i32
          %mul3A_267 = arith.muli %mul3A_266, %add3A_149 : i32
          %dma_start3A_268 = arith.constant 0 : i32
          %dma_start3A_269 = arith.constant 0 : i32
          %dma_start3A_270 = tpu.memref_slice %run_scoped3A[%rem3A_265, %dma_start3A_268, %dma_start3A_269] : memref<2x1x128xi32, #tpu.memory_space<vmem>> -> memref<1x1x128xi32, #tpu.memory_space<vmem>>
          %dma_start3A_271 = tpu.memref_squeeze %dma_start3A_270 : memref<1x1x128xi32, #tpu.memory_space<vmem>> -> memref<1x128xi32, #tpu.memory_space<vmem>>
          %dma_start3A_272 = arith.constant 0 : i32
          %dma_start3A_273 = tpu.memref_slice %arg3[%dma_start3A_272, %mul3A_267] : memref<1x16384xi32, #tpu.memory_space<hbm>> -> memref<1x128xi32, #tpu.memory_space<hbm>>
          %dma_start3A_274 = tpu.memref_slice %run_scoped3A_7[%rem3A_265] : memref<2x!tpu.dma_semaphore, #tpu.memory_space<semaphore_mem>> -> memref<1x!tpu.dma_semaphore, #tpu.memory_space<semaphore_mem>>
          %dma_start3A_275 = tpu.memref_squeeze %dma_start3A_274 : memref<1x!tpu.dma_semaphore, #tpu.memory_space<semaphore_mem>> -> memref<!tpu.dma_semaphore, #tpu.memory_space<semaphore_mem>>
          %dma_start3A_276 = arith.constant 0 : i32
          %dma_start3A_277 = arith.constant 0 : i32
          %dma_start3A_278 = tpu.memref_slice %run_scoped3A[%rem3A_265, %dma_start3A_276, %dma_start3A_277] : memref<2x1x128xi32, #tpu.memory_space<vmem>> -> memref<1x1x128xi32, #tpu.memory_space<vmem>>
          %dma_start3A_279 = tpu.memref_squeeze %dma_start3A_278 : memref<1x1x128xi32, #tpu.memory_space<vmem>> -> memref<1x128xi32, #tpu.memory_space<vmem>>
          %dma_start3A_280 = arith.constant 0 : i32
          %dma_start3A_281 = tpu.memref_slice %arg3[%dma_start3A_280, %mul3A_267] : memref<1x16384xi32, #tpu.memory_space<hbm>> -> memref<1x128xi32, #tpu.memory_space<hbm>>
          tpu.enqueue_dma source(%dma_start3A_281 : memref<1x128xi32, #tpu.memory_space<hbm>>) target(%dma_start3A_279 : memref<1x128xi32, #tpu.memory_space<vmem>>) target_semaphore(%dma_start3A_275 : memref<!tpu.dma_semaphore, #tpu.memory_space<semaphore_mem>>)
          "tpu.trace_stop"() : () -> ()
        } else {
        }
        %and3A_163 = arith.constant true
        %and3A_164 = arith.andi %and3A, %and3A_163 : i1
        %add3A_165 = arith.constant 1 : i32
        %add3A_166 = arith.addi %scan3A_122, %add3A_165 : i32
        %select_n3A_167 = arith.select %and3A_164, %add3A_166, %scan3A_122 : i32
        %ne3A_168 = arith.cmpi ne, %add3A_131, %add3A_149 : i32
        %or3A_169 = arith.constant false
        %or3A_170 = arith.ori %or3A_169, %ne3A_168 : i1
        %or3A_171 = arith.constant false
        %or3A_172 = arith.ori %or3A_170, %or3A_171 : i1
        %ge3A_173 = arith.constant 3 : i32
        %ge3A_174 = arith.cmpi sge, %scan3A_121, %ge3A_173 : i32
        %not3A_175 = arith.constant true
        %not3A_176 = arith.xori %ge3A_174, %not3A_175 : i1
        %and3A_177 = arith.andi %or3A_172, %not3A_176 : i1
        %ne3A_178 = arith.cmpi ne, %add3A_131, %add3A_140 : i32
        %or3A_179 = arith.constant false
        %or3A_180 = arith.ori %or3A_179, %ne3A_178 : i1
        %or3A_181 = arith.ori %or3A_180, %eq3A_128 : i1
        %convert_element_type3A_182 = arith.extui %or3A_181 : i1 to i32
        %cond3A_183 = arith.constant 0 : i32
        %cond3A_184 = arith.cmpi ne, %convert_element_type3A_182, %cond3A_183 : i32
        scf.if %cond3A_184 {
          "tpu.trace_start"() <{level = 10 : i32, message = "ep_wait_in"}> : () -> ()
          %mul3A_264 = arith.constant 128 : i32
          %mul3A_265 = arith.muli %mul3A_264, %add3A_131 : i32
          %rem3A_266 = arith.constant 2 : i32
          %rem3A_267 = arith.remui %scan3A_123, %rem3A_266 : i32
          %dma_wait3A_268 = arith.constant 0 : i32
          %dma_wait3A_269 = arith.constant 0 : i32
          %dma_wait3A_270 = tpu.memref_slice %run_scoped3A[%rem3A_267, %dma_wait3A_268, %dma_wait3A_269] : memref<2x1x128xi32, #tpu.memory_space<vmem>> -> memref<1x1x128xi32, #tpu.memory_space<vmem>>
          %dma_wait3A_271 = tpu.memref_squeeze %dma_wait3A_270 : memref<1x1x128xi32, #tpu.memory_space<vmem>> -> memref<1x128xi32, #tpu.memory_space<vmem>>
          %dma_wait3A_272 = arith.constant 0 : i32
          %dma_wait3A_273 = tpu.memref_slice %arg3[%dma_wait3A_272, %mul3A_265] : memref<1x16384xi32, #tpu.memory_space<hbm>> -> memref<1x128xi32, #tpu.memory_space<hbm>>
          %dma_wait3A_274 = tpu.memref_slice %run_scoped3A_7[%rem3A_267] : memref<2x!tpu.dma_semaphore, #tpu.memory_space<semaphore_mem>> -> memref<1x!tpu.dma_semaphore, #tpu.memory_space<semaphore_mem>>
          %dma_wait3A_275 = tpu.memref_squeeze %dma_wait3A_274 : memref<1x!tpu.dma_semaphore, #tpu.memory_space<semaphore_mem>> -> memref<!tpu.dma_semaphore, #tpu.memory_space<semaphore_mem>>
          %dma_wait3A_276 = arith.constant 0 : i32
          %dma_wait3A_277 = arith.constant 0 : i32
          %dma_wait3A_278 = tpu.memref_slice %run_scoped3A[%rem3A_267, %dma_wait3A_276, %dma_wait3A_277] : memref<2x1x128xi32, #tpu.memory_space<vmem>> -> memref<1x1x128xi32, #tpu.memory_space<vmem>>
          %dma_wait3A_279 = tpu.memref_squeeze %dma_wait3A_278 : memref<1x1x128xi32, #tpu.memory_space<vmem>> -> memref<1x128xi32, #tpu.memory_space<vmem>>
          %dma_wait3A_280 = arith.constant 0 : i32
          %dma_wait3A_281 = tpu.memref_slice %arg3[%dma_wait3A_280, %mul3A_265] : memref<1x16384xi32, #tpu.memory_space<hbm>> -> memref<1x128xi32, #tpu.memory_space<hbm>>
          tpu.wait_dma2 semaphore(%dma_wait3A_275 : memref<!tpu.dma_semaphore, #tpu.memory_space<semaphore_mem>>) src(%dma_wait3A_281 : memref<1x128xi32, #tpu.memory_space<hbm>>) dst(%dma_wait3A_279 : memref<1x128xi32, #tpu.memory_space<vmem>>)
          "tpu.trace_stop"() : () -> ()
        } else {
        }
        %ne3A_185 = arith.cmpi ne, %add3A_131, %add3A_140 : i32
        %or3A_186 = arith.constant false
        %or3A_187 = arith.ori %or3A_186, %ne3A_185 : i1
        %or3A_188 = arith.constant false
        %or3A_189 = arith.ori %or3A_187, %or3A_188 : i1
        %or3A_190 = arith.ori %or3A_189, %eq3A_128 : i1
        %convert_element_type3A_191 = arith.extui %or3A_190 : i1 to i32
        %cond3A_192 = arith.constant 0 : i32
        %cond3A_193 = arith.cmpi ne, %convert_element_type3A_191, %cond3A_192 : i32
        scf.if %cond3A_193 {
        } else {
        }
        %rem3A_194 = arith.constant 2 : i32
        %rem3A_195 = arith.remui %scan3A_123, %rem3A_194 : i32
        %rem3A_196 = arith.constant 2 : i32
        %rem3A_197 = arith.remui %scan3A_124, %rem3A_196 : i32
        %run_scoped3A_198 = arith.constant 0 : i32
        "tpu.trace_start"() <{level = 10 : i32, message = "ep_run_kernel"}> : () -> ()
        "tpu.region"() ({
          %run_scoped3A_264 = tpu.sem_alloc : memref<!tpu.dma_semaphore, #tpu.memory_space<semaphore_mem>>
          %dma_start3A_265 = arith.constant 0 : i32
          %dma_start3A_266 = arith.constant 0 : i32
          %dma_start3A_267 = tpu.memref_slice %run_scoped3A_8[%rem3A_197, %dma_start3A_265, %dma_start3A_266] : memref<2x128x128xf32, #tpu.memory_space<vmem>> -> memref<1x128x128xf32, #tpu.memory_space<vmem>>
          %dma_start3A_268 = tpu.memref_squeeze %dma_start3A_267 : memref<1x128x128xf32, #tpu.memory_space<vmem>> -> memref<128x128xf32, #tpu.memory_space<vmem>>
          %dma_start3A_269 = arith.constant 0 : i32
          %dma_start3A_270 = arith.constant 0 : i32
          %dma_start3A_271 = tpu.memref_slice %run_scoped3A[%rem3A_195, %dma_start3A_269, %dma_start3A_270] : memref<2x1x128xi32, #tpu.memory_space<vmem>> -> memref<1x1x128xi32, #tpu.memory_space<vmem>>
          %dma_start3A_272 = tpu.memref_squeeze %dma_start3A_271 : memref<1x1x128xi32, #tpu.memory_space<vmem>> -> memref<1x128xi32, #tpu.memory_space<vmem>>
          %dma_start3A_273 = arith.constant 0 : i32
          %dma_start3A_274 = tpu.memref_slice %dma_start3A_272[%run_scoped3A_198, %dma_start3A_273] : memref<1x128xi32, #tpu.memory_space<vmem>> -> memref<1x128xi32, #tpu.memory_space<vmem>>
          %dma_start3A_275 = tpu.memref_squeeze %dma_start3A_274 : memref<1x128xi32, #tpu.memory_space<vmem>> -> memref<128xi32, #tpu.memory_space<vmem>>
          %dma_start3A_276 = arith.constant 0 : i32
          %dma_start3A_277 = arith.constant 0 : i32
          %dma_start3A_278 = tpu.memref_slice %arg2[%dma_start3A_276, %dma_start3A_277] : memref<8192x128xf32, #tpu.memory_space<hbm>> -> memref<8192x128xf32, #tpu.memory_space<hbm>>
          tpu.enqueue_indirect_dma source(%dma_start3A_278 : memref<8192x128xf32, #tpu.memory_space<hbm>>) target(%dma_start3A_268 : memref<128x128xf32, #tpu.memory_space<vmem>>) offsets(%dma_start3A_275 : memref<128xi32, #tpu.memory_space<vmem>>) semaphore(%run_scoped3A_264 : memref<!tpu.dma_semaphore, #tpu.memory_space<semaphore_mem>>)
          %dma_wait3A_279 = arith.constant 0 : i32
          %dma_wait3A_280 = arith.constant 0 : i32
          %dma_wait3A_281 = tpu.memref_slice %run_scoped3A_8[%rem3A_197, %dma_wait3A_279, %dma_wait3A_280] : memref<2x128x128xf32, #tpu.memory_space<vmem>> -> memref<1x128x128xf32, #tpu.memory_space<vmem>>
          %dma_wait3A_282 = tpu.memref_squeeze %dma_wait3A_281 : memref<1x128x128xf32, #tpu.memory_space<vmem>> -> memref<128x128xf32, #tpu.memory_space<vmem>>
          %dma_wait3A_283 = arith.constant 0 : i32
          %dma_wait3A_284 = arith.constant 0 : i32
          %dma_wait3A_285 = tpu.memref_slice %run_scoped3A[%rem3A_195, %dma_wait3A_283, %dma_wait3A_284] : memref<2x1x128xi32, #tpu.memory_space<vmem>> -> memref<1x1x128xi32, #tpu.memory_space<vmem>>
          %dma_wait3A_286 = tpu.memref_squeeze %dma_wait3A_285 : memref<1x1x128xi32, #tpu.memory_space<vmem>> -> memref<1x128xi32, #tpu.memory_space<vmem>>
          %dma_wait3A_287 = arith.constant 0 : i32
          %dma_wait3A_288 = tpu.memref_slice %dma_wait3A_286[%run_scoped3A_198, %dma_wait3A_287] : memref<1x128xi32, #tpu.memory_space<vmem>> -> memref<1x128xi32, #tpu.memory_space<vmem>>
          %dma_wait3A_289 = tpu.memref_squeeze %dma_wait3A_288 : memref<1x128xi32, #tpu.memory_space<vmem>> -> memref<128xi32, #tpu.memory_space<vmem>>
          %dma_wait3A_290 = arith.constant 0 : i32
          %dma_wait3A_291 = arith.constant 0 : i32
          %dma_wait3A_292 = tpu.memref_slice %arg2[%dma_wait3A_290, %dma_wait3A_291] : memref<8192x128xf32, #tpu.memory_space<hbm>> -> memref<8192x128xf32, #tpu.memory_space<hbm>>
          tpu.wait_indirect_dma semaphore(%run_scoped3A_264 : memref<!tpu.dma_semaphore, #tpu.memory_space<semaphore_mem>>) src(%dma_wait3A_292 : memref<8192x128xf32, #tpu.memory_space<hbm>>) dst(%dma_wait3A_282 : memref<128x128xf32, #tpu.memory_space<vmem>>)
          tpu.yield
        }) : () -> ()
        "tpu.trace_stop"() : () -> ()
        %ne3A_199 = arith.cmpi ne, %add3A_131, %add3A_149 : i32
        %or3A_200 = arith.constant false
        %or3A_201 = arith.ori %or3A_200, %ne3A_199 : i1
        %or3A_202 = arith.ori %or3A_201, %eq3A_130 : i1
        %convert_element_type3A_203 = arith.extui %or3A_202 : i1 to i32
        %cond3A_204 = arith.constant 0 : i32
        %cond3A_205 = arith.cmpi ne, %convert_element_type3A_203, %cond3A_204 : i32
        scf.if %cond3A_205 {
        } else {
        }
        %and3A_206 = arith.constant false
        %and3A_207 = arith.andi %or3A_202, %and3A_206 : i1
        %ne3A_208 = arith.cmpi ne, %add3A_131, %add3A_149 : i32
        %or3A_209 = arith.constant false
        %or3A_210 = arith.ori %or3A_209, %ne3A_208 : i1
        %or3A_211 = arith.constant false
        %or3A_212 = arith.ori %or3A_210, %or3A_211 : i1
        %or3A_213 = arith.ori %or3A_212, %eq3A_130 : i1
        %convert_element_type3A_214 = arith.extui %or3A_213 : i1 to i32
        %cond3A_215 = arith.constant 0 : i32
        %cond3A_216 = arith.cmpi ne, %convert_element_type3A_214, %cond3A_215 : i32
        scf.if %cond3A_216 {
          "tpu.trace_start"() <{level = 10 : i32, message = "ep_copy_out"}> : () -> ()
          %rem3A_264 = arith.constant 2 : i32
          %rem3A_265 = arith.remui %scan3A_124, %rem3A_264 : i32
          %mul3A_266 = arith.constant 128 : i32
          %mul3A_267 = arith.muli %mul3A_266, %add3A_131 : i32
          %dma_start3A_268 = arith.constant 0 : i32
          %dma_start3A_269 = arith.constant 0 : i32
          %dma_start3A_270 = tpu.memref_slice %run_scoped3A_8[%rem3A_265, %dma_start3A_268, %dma_start3A_269] : memref<2x128x128xf32, #tpu.memory_space<vmem>> -> memref<1x128x128xf32, #tpu.memory_space<vmem>>
          %dma_start3A_271 = tpu.memref_squeeze %dma_start3A_270 : memref<1x128x128xf32, #tpu.memory_space<vmem>> -> memref<128x128xf32, #tpu.memory_space<vmem>>
          %dma_start3A_272 = arith.constant 0 : i32
          %dma_start3A_273 = tpu.memref_slice %arg4[%mul3A_267, %dma_start3A_272] : memref<16384x128xf32, #tpu.memory_space<hbm>> -> memref<128x128xf32, #tpu.memory_space<hbm>>
          %dma_start3A_274 = tpu.memref_slice %run_scoped3A_9[%rem3A_265] : memref<2x!tpu.dma_semaphore, #tpu.memory_space<semaphore_mem>> -> memref<1x!tpu.dma_semaphore, #tpu.memory_space<semaphore_mem>>
          %dma_start3A_275 = tpu.memref_squeeze %dma_start3A_274 : memref<1x!tpu.dma_semaphore, #tpu.memory_space<semaphore_mem>> -> memref<!tpu.dma_semaphore, #tpu.memory_space<semaphore_mem>>
          %dma_start3A_276 = arith.constant 0 : i32
          %dma_start3A_277 = tpu.memref_slice %arg4[%mul3A_267, %dma_start3A_276] : memref<16384x128xf32, #tpu.memory_space<hbm>> -> memref<128x128xf32, #tpu.memory_space<hbm>>
          %dma_start3A_278 = arith.constant 0 : i32
          %dma_start3A_279 = arith.constant 0 : i32
          %dma_start3A_280 = tpu.memref_slice %run_scoped3A_8[%rem3A_265, %dma_start3A_278, %dma_start3A_279] : memref<2x128x128xf32, #tpu.memory_space<vmem>> -> memref<1x128x128xf32, #tpu.memory_space<vmem>>
          %dma_start3A_281 = tpu.memref_squeeze %dma_start3A_280 : memref<1x128x128xf32, #tpu.memory_space<vmem>> -> memref<128x128xf32, #tpu.memory_space<vmem>>
          tpu.enqueue_dma source(%dma_start3A_281 : memref<128x128xf32, #tpu.memory_space<vmem>>) target(%dma_start3A_277 : memref<128x128xf32, #tpu.memory_space<hbm>>) target_semaphore(%dma_start3A_275 : memref<!tpu.dma_semaphore, #tpu.memory_space<semaphore_mem>>)
          "tpu.trace_stop"() : () -> ()
        } else {
        }
        %and3A_217 = arith.constant true
        %and3A_218 = arith.andi %or3A_213, %and3A_217 : i1
        %add3A_219 = arith.constant 1 : i32
        %add3A_220 = arith.addi %scan3A_124, %add3A_219 : i32
        %select_n3A_221 = arith.select %and3A_218, %add3A_220, %scan3A_124 : i32
        %ne3A_222 = arith.cmpi ne, %add3A_131, %add3A_140 : i32
        %or3A_223 = arith.constant false
        %or3A_224 = arith.ori %or3A_223, %ne3A_222 : i1
        %not3A_225 = arith.constant true
        %not3A_226 = arith.xori %eq3A_128, %not3A_225 : i1
        %and3A_227 = arith.andi %or3A_224, %not3A_226 : i1
        %convert_element_type3A_228 = arith.extui %and3A_227 : i1 to i32
        %cond3A_229 = arith.constant 0 : i32
        %cond3A_230 = arith.cmpi ne, %convert_element_type3A_228, %cond3A_229 : i32
        scf.if %cond3A_230 {
        } else {
        }
        %and3A_231 = arith.constant false
        %and3A_232 = arith.andi %and3A_227, %and3A_231 : i1
        %ne3A_233 = arith.cmpi ne, %add3A_131, %add3A_140 : i32
        %or3A_234 = arith.constant false
        %or3A_235 = arith.ori %or3A_234, %ne3A_233 : i1
        %or3A_236 = arith.constant false
        %or3A_237 = arith.ori %or3A_235, %or3A_236 : i1
        %not3A_238 = arith.constant true
        %not3A_239 = arith.xori %eq3A_128, %not3A_238 : i1
        %and3A_240 = arith.andi %or3A_237, %not3A_239 : i1
        %convert_element_type3A_241 = arith.extui %and3A_240 : i1 to i32
        %cond3A_242 = arith.constant 0 : i32
        %cond3A_243 = arith.cmpi ne, %convert_element_type3A_241, %cond3A_242 : i32
        scf.if %cond3A_243 {
          "tpu.trace_start"() <{level = 10 : i32, message = "ep_wait_out"}> : () -> ()
          %rem3A_264 = arith.constant 2 : i32
          %rem3A_265 = arith.remui %scan3A_125, %rem3A_264 : i32
          %mul3A_266 = arith.constant 128 : i32
          %mul3A_267 = arith.muli %mul3A_266, %add3A_140 : i32
          %dma_wait3A_268 = arith.constant 0 : i32
          %dma_wait3A_269 = arith.constant 0 : i32
          %dma_wait3A_270 = tpu.memref_slice %run_scoped3A_8[%rem3A_265, %dma_wait3A_268, %dma_wait3A_269] : memref<2x128x128xf32, #tpu.memory_space<vmem>> -> memref<1x128x128xf32, #tpu.memory_space<vmem>>
          %dma_wait3A_271 = tpu.memref_squeeze %dma_wait3A_270 : memref<1x128x128xf32, #tpu.memory_space<vmem>> -> memref<128x128xf32, #tpu.memory_space<vmem>>
          %dma_wait3A_272 = arith.constant 0 : i32
          %dma_wait3A_273 = tpu.memref_slice %arg4[%mul3A_267, %dma_wait3A_272] : memref<16384x128xf32, #tpu.memory_space<hbm>> -> memref<128x128xf32, #tpu.memory_space<hbm>>
          %dma_wait3A_274 = tpu.memref_slice %run_scoped3A_9[%rem3A_265] : memref<2x!tpu.dma_semaphore, #tpu.memory_space<semaphore_mem>> -> memref<1x!tpu.dma_semaphore, #tpu.memory_space<semaphore_mem>>
          %dma_wait3A_275 = tpu.memref_squeeze %dma_wait3A_274 : memref<1x!tpu.dma_semaphore, #tpu.memory_space<semaphore_mem>> -> memref<!tpu.dma_semaphore, #tpu.memory_space<semaphore_mem>>
          %dma_wait3A_276 = arith.constant 0 : i32
          %dma_wait3A_277 = tpu.memref_slice %arg4[%mul3A_267, %dma_wait3A_276] : memref<16384x128xf32, #tpu.memory_space<hbm>> -> memref<128x128xf32, #tpu.memory_space<hbm>>
          %dma_wait3A_278 = arith.constant 0 : i32
          %dma_wait3A_279 = arith.constant 0 : i32
          %dma_wait3A_280 = tpu.memref_slice %run_scoped3A_8[%rem3A_265, %dma_wait3A_278, %dma_wait3A_279] : memref<2x128x128xf32, #tpu.memory_space<vmem>> -> memref<1x128x128xf32, #tpu.memory_space<vmem>>
          %dma_wait3A_281 = tpu.memref_squeeze %dma_wait3A_280 : memref<1x128x128xf32, #tpu.memory_space<vmem>> -> memref<128x128xf32, #tpu.memory_space<vmem>>
          tpu.wait_dma2 semaphore(%dma_wait3A_275 : memref<!tpu.dma_semaphore, #tpu.memory_space<semaphore_mem>>) src(%dma_wait3A_281 : memref<128x128xf32, #tpu.memory_space<vmem>>) dst(%dma_wait3A_277 : memref<128x128xf32, #tpu.memory_space<hbm>>)
          "tpu.trace_stop"() : () -> ()
        } else {
        }
        %and3A_244 = arith.constant true
        %and3A_245 = arith.andi %and3A_240, %and3A_244 : i1
        %add3A_246 = arith.constant 1 : i32
        %add3A_247 = arith.addi %scan3A_125, %add3A_246 : i32
        %select_n3A_248 = arith.select %and3A_245, %add3A_247, %scan3A_125 : i32
        %ne3A_249 = arith.cmpi ne, %add3A_131, %add3A_149 : i32
        %or3A_250 = arith.constant false
        %or3A_251 = arith.ori %or3A_250, %ne3A_249 : i1
        %or3A_252 = arith.ori %or3A_251, %eq3A_130 : i1
        %add3A_253 = arith.constant 1 : i32
        %add3A_254 = arith.addi %scan3A_123, %add3A_253 : i32
        %select_n3A_255 = arith.select %or3A_252, %add3A_254, %scan3A_123 : i32
        %add3A_256 = arith.constant 1 : i32
        %add3A_257 = arith.addi %scan3A_126, %add3A_256 : i32
        %select_n3A_258 = arith.constant true
        %select_n3A_259 = arith.select %select_n3A_258, %add3A_257, %scan3A_126 : i32
        %eq3A_260 = arith.constant 4 : i32
        %eq3A_261 = arith.cmpi eq, %select_n3A_259, %eq3A_260 : i32
        %select_n3A_262 = arith.constant 0 : i32
        %select_n3A_263 = arith.select %eq3A_261, %select_n3A_262, %select_n3A_259 : i32
        scf.yield %select_n3A_167, %select_n3A_255, %select_n3A_221, %select_n3A_248, %select_n3A_263 : i32, i32, i32, i32, i32
      }
      %scan3A_68 = arith.constant 4 : i32
      %sub3A = arith.constant 1 : i32
      %sub3A_69 = arith.subi %scan3A_67#4, %sub3A : i32
      %select_n3A_70 = arith.constant true
      %select_n3A_71 = arith.select %select_n3A_70, %sub3A_69, %scan3A_67#4 : i32
      %eq3A_72 = arith.constant -1 : i32
      %eq3A_73 = arith.cmpi eq, %select_n3A_71, %eq3A_72 : i32
      %select_n3A_74 = arith.constant 3 : i32
      %select_n3A_75 = arith.select %eq3A_73, %select_n3A_74, %select_n3A_71 : i32
      %add3A_76 = arith.addi %select_n3A_75, %mul3A_6 : i32
      %sub3A_77 = arith.constant 1 : i32
      %sub3A_78 = arith.subi %select_n3A_75, %sub3A_77 : i32
      %select_n3A_79 = arith.constant true
      %select_n3A_80 = arith.select %select_n3A_79, %sub3A_78, %select_n3A_75 : i32
      %eq3A_81 = arith.constant -1 : i32
      %eq3A_82 = arith.cmpi eq, %select_n3A_80, %eq3A_81 : i32
      %select_n3A_83 = arith.constant 3 : i32
      %select_n3A_84 = arith.select %eq3A_82, %select_n3A_83, %select_n3A_80 : i32
      %add3A_85 = arith.addi %select_n3A_84, %mul3A_6 : i32
      %add3A_86 = arith.constant 1 : i32
      %add3A_87 = arith.addi %select_n3A_75, %add3A_86 : i32
      %select_n3A_88 = arith.constant true
      %select_n3A_89 = arith.select %select_n3A_88, %add3A_87, %select_n3A_75 : i32
      %eq3A_90 = arith.constant 4 : i32
      %eq3A_91 = arith.cmpi eq, %select_n3A_89, %eq3A_90 : i32
      %select_n3A_92 = arith.constant 0 : i32
      %select_n3A_93 = arith.select %eq3A_91, %select_n3A_92, %select_n3A_89 : i32
      %add3A_94 = arith.addi %select_n3A_93, %mul3A_6 : i32
      %add3A_95 = arith.constant 1 : i32
      %add3A_96 = arith.addi %select_n3A_93, %add3A_95 : i32
      %select_n3A_97 = arith.constant true
      %select_n3A_98 = arith.select %select_n3A_97, %add3A_96, %select_n3A_93 : i32
      %eq3A_99 = arith.constant 4 : i32
      %eq3A_100 = arith.cmpi eq, %select_n3A_98, %eq3A_99 : i32
      %select_n3A_101 = arith.constant 0 : i32
      %select_n3A_102 = arith.select %eq3A_100, %select_n3A_101, %select_n3A_98 : i32
      %add3A_103 = arith.addi %select_n3A_102, %mul3A_6 : i32
      "tpu.trace_start"() <{level = 10 : i32, message = "ep_finalize"}> : () -> ()
      %rem3A_104 = arith.constant 2 : i32
      %rem3A_105 = arith.remui %scan3A_67#3, %rem3A_104 : i32
      %mul3A_106 = arith.constant 128 : i32
      %mul3A_107 = arith.muli %mul3A_106, %add3A_76 : i32
      %dma_wait3A = arith.constant 0 : i32
      %dma_wait3A_108 = arith.constant 0 : i32
      %dma_wait3A_109 = tpu.memref_slice %run_scoped3A_8[%rem3A_105, %dma_wait3A, %dma_wait3A_108] : memref<2x128x128xf32, #tpu.memory_space<vmem>> -> memref<1x128x128xf32, #tpu.memory_space<vmem>>
      %dma_wait3A_110 = tpu.memref_squeeze %dma_wait3A_109 : memref<1x128x128xf32, #tpu.memory_space<vmem>> -> memref<128x128xf32, #tpu.memory_space<vmem>>
      %dma_wait3A_111 = arith.constant 0 : i32
      %dma_wait3A_112 = tpu.memref_slice %arg4[%mul3A_107, %dma_wait3A_111] : memref<16384x128xf32, #tpu.memory_space<hbm>> -> memref<128x128xf32, #tpu.memory_space<hbm>>
      %dma_wait3A_113 = tpu.memref_slice %run_scoped3A_9[%rem3A_105] : memref<2x!tpu.dma_semaphore, #tpu.memory_space<semaphore_mem>> -> memref<1x!tpu.dma_semaphore, #tpu.memory_space<semaphore_mem>>
      %dma_wait3A_114 = tpu.memref_squeeze %dma_wait3A_113 : memref<1x!tpu.dma_semaphore, #tpu.memory_space<semaphore_mem>> -> memref<!tpu.dma_semaphore, #tpu.memory_space<semaphore_mem>>
      %dma_wait3A_115 = arith.constant 0 : i32
      %dma_wait3A_116 = tpu.memref_slice %arg4[%mul3A_107, %dma_wait3A_115] : memref<16384x128xf32, #tpu.memory_space<hbm>> -> memref<128x128xf32, #tpu.memory_space<hbm>>
      %dma_wait3A_117 = arith.constant 0 : i32
      %dma_wait3A_118 = arith.constant 0 : i32
      %dma_wait3A_119 = tpu.memref_slice %run_scoped3A_8[%rem3A_105, %dma_wait3A_117, %dma_wait3A_118] : memref<2x128x128xf32, #tpu.memory_space<vmem>> -> memref<1x128x128xf32, #tpu.memory_space<vmem>>
      %dma_wait3A_120 = tpu.memref_squeeze %dma_wait3A_119 : memref<1x128x128xf32, #tpu.memory_space<vmem>> -> memref<128x128xf32, #tpu.memory_space<vmem>>
      tpu.wait_dma2 semaphore(%dma_wait3A_114 : memref<!tpu.dma_semaphore, #tpu.memory_space<semaphore_mem>>) src(%dma_wait3A_120 : memref<128x128xf32, #tpu.memory_space<vmem>>) dst(%dma_wait3A_116 : memref<128x128xf32, #tpu.memory_space<hbm>>)
      "tpu.trace_stop"() : () -> ()
      tpu.yield
    }) : () -> ()
    return
  }
}

module attributes {stable_mosaic.version = 14 : i64} {
  func.func @_vq_body(%arg0: i32, %arg1: memref<512x32xbf16, #tpu.memory_space<vmem>>, %arg2: memref<8192x32xbf16, #tpu.memory_space<vmem>>, %arg3: memref<512x1xf32, #tpu.memory_space<vmem>>, %arg4: memref<1x8192xf32, #tpu.memory_space<vmem>>, %arg5: memref<1x1x512xi32, #tpu.memory_space<vmem>>, %arg6: memref<1x1xf32, #tpu.memory_space<vmem>>) attributes {dimension_semantics = [#tpu.dimension_semantics<arbitrary>], iteration_bounds = array<i64: 32>, scalar_prefetch = 0 : i64, scratch_operands = 0 : i64, tpu.core_type = #tpu.core_type<tc>, window_params = [{transform_indices = @transform_0, window_bounds = array<i64: 512, 32>}, {pipeline_mode = #tpu.pipeline_mode<synchronous>, transform_indices = @transform_1, window_bounds = array<i64: 8192, 32>}, {transform_indices = @transform_2, window_bounds = array<i64: 512, 1>}, {pipeline_mode = #tpu.pipeline_mode<synchronous>, transform_indices = @transform_3, window_bounds = array<i64: 1, 8192>}, {transform_indices = @transform_4, window_bounds = array<i64: 1, 1, 512>}, {pipeline_mode = #tpu.pipeline_mode<synchronous>, transform_indices = @transform_5, window_bounds = array<i64: 1, 1>}]} {
    %get3A = arith.constant 0 : index
    %get3A_0 = arith.constant 0 : index
    %get3A_1 = vector.load %arg1[%get3A, %get3A_0] : memref<512x32xbf16, #tpu.memory_space<vmem>>, vector<512x32xbf16>
    %get3A_2 = arith.constant 0 : index
    %get3A_3 = arith.constant 0 : index
    %get3A_4 = vector.load %arg2[%get3A_2, %get3A_3] : memref<8192x32xbf16, #tpu.memory_space<vmem>>, vector<8192x32xbf16>
    %get3A_5 = arith.constant 0 : index
    %get3A_6 = arith.constant 0 : index
    %get3A_7 = vector.load %arg3[%get3A_5, %get3A_6] : memref<512x1xf32, #tpu.memory_space<vmem>>, vector<512x1xf32>
    %get3A_8 = arith.constant 0 : index
    %get3A_9 = arith.constant 0 : index
    %get3A_10 = vector.load %arg4[%get3A_8, %get3A_9] : memref<1x8192xf32, #tpu.memory_space<vmem>>, vector<1x8192xf32>
    %dot_general3A = arith.constant dense<0.000000e+00> : vector<512x8192xf32>
    %dot_general3A_11 = tpu.matmul %get3A_1, %get3A_4, %dot_general3A {dimension_numbers = #tpu.dot_dimension_numbers<[1], [1], [0], [0], [0, 0, 1, 0], [], []>, transpose_lhs_hint = false} : vector<512x32xbf16>, vector<8192x32xbf16>, vector<512x8192xf32> -> vector<512x8192xf32>
    %iota3A = tpu.iota {dimensions = array<i32: 1>} : vector<512x128xi32>
    %slice3A = vector.extract_strided_slice %dot_general3A_11 {offsets = [0, 0], sizes = [512, 128], strides = [1, 1]} : vector<512x8192xf32> to vector<512x128xf32>
    %sub3A = vector.broadcast %get3A_7 : vector<512x1xf32> to vector<512x128xf32>
    %sub3A_12 = arith.subf %sub3A, %slice3A : vector<512x128xf32>
    %slice3A_13 = vector.extract_strided_slice %get3A_10 {offsets = [0, 0], sizes = [1, 128], strides = [1, 1]} : vector<1x8192xf32> to vector<1x128xf32>
    %add3A = vector.broadcast %slice3A_13 : vector<1x128xf32> to vector<512x128xf32>
    %add3A_14 = arith.addf %sub3A_12, %add3A : vector<512x128xf32>
    %broadcast_in_dim3A = arith.constant 0 : i32
    %broadcast_in_dim3A_15 = vector.broadcast %broadcast_in_dim3A : i32 to vector<512x128xi32>
    %slice3A_16 = vector.extract_strided_slice %dot_general3A_11 {offsets = [0, 128], sizes = [512, 128], strides = [1, 1]} : vector<512x8192xf32> to vector<512x128xf32>
    %sub3A_17 = vector.broadcast %get3A_7 : vector<512x1xf32> to vector<512x128xf32>
    %sub3A_18 = arith.subf %sub3A_17, %slice3A_16 : vector<512x128xf32>
    %slice3A_19 = vector.extract_strided_slice %get3A_10 {offsets = [0, 128], sizes = [1, 128], strides = [1, 1]} : vector<1x8192xf32> to vector<1x128xf32>
    %add3A_20 = vector.broadcast %slice3A_19 : vector<1x128xf32> to vector<512x128xf32>
    %add3A_21 = arith.addf %sub3A_18, %add3A_20 : vector<512x128xf32>
    %lt3A = arith.cmpf olt, %add3A_21, %add3A_14 : vector<512x128xf32>
    %select_n3A = arith.select %lt3A, %add3A_21, %add3A_14 : vector<512x128xi1>, vector<512x128xf32>
    %jit3A = arith.constant 1 : i32
    %broadcast_in_dim3A_22 = vector.broadcast %jit3A : i32 to vector<512x128xi32>
    %select_n3A_23 = arith.select %lt3A, %broadcast_in_dim3A_22, %broadcast_in_dim3A_15 : vector<512x128xi1>, vector<512x128xi32>
    %slice3A_24 = vector.extract_strided_slice %dot_general3A_11 {offsets = [0, 256], sizes = [512, 128], strides = [1, 1]} : vector<512x8192xf32> to vector<512x128xf32>
    %sub3A_25 = vector.broadcast %get3A_7 : vector<512x1xf32> to vector<512x128xf32>
    %sub3A_26 = arith.subf %sub3A_25, %slice3A_24 : vector<512x128xf32>
    %slice3A_27 = vector.extract_strided_slice %get3A_10 {offsets = [0, 256], sizes = [1, 128], strides = [1, 1]} : vector<1x8192xf32> to vector<1x128xf32>
    %add3A_28 = vector.broadcast %slice3A_27 : vector<1x128xf32> to vector<512x128xf32>
    %add3A_29 = arith.addf %sub3A_26, %add3A_28 : vector<512x128xf32>
    %lt3A_30 = arith.cmpf olt, %add3A_29, %select_n3A : vector<512x128xf32>
    %select_n3A_31 = arith.select %lt3A_30, %add3A_29, %select_n3A : vector<512x128xi1>, vector<512x128xf32>
    %jit3A_32 = arith.constant 2 : i32
    %broadcast_in_dim3A_33 = vector.broadcast %jit3A_32 : i32 to vector<512x128xi32>
    %select_n3A_34 = arith.select %lt3A_30, %broadcast_in_dim3A_33, %select_n3A_23 : vector<512x128xi1>, vector<512x128xi32>
    %slice3A_35 = vector.extract_strided_slice %dot_general3A_11 {offsets = [0, 384], sizes = [512, 128], strides = [1, 1]} : vector<512x8192xf32> to vector<512x128xf32>
    %sub3A_36 = vector.broadcast %get3A_7 : vector<512x1xf32> to vector<512x128xf32>
    %sub3A_37 = arith.subf %sub3A_36, %slice3A_35 : vector<512x128xf32>
    %slice3A_38 = vector.extract_strided_slice %get3A_10 {offsets = [0, 384], sizes = [1, 128], strides = [1, 1]} : vector<1x8192xf32> to vector<1x128xf32>
    %add3A_39 = vector.broadcast %slice3A_38 : vector<1x128xf32> to vector<512x128xf32>
    %add3A_40 = arith.addf %sub3A_37, %add3A_39 : vector<512x128xf32>
    %lt3A_41 = arith.cmpf olt, %add3A_40, %select_n3A_31 : vector<512x128xf32>
    %select_n3A_42 = arith.select %lt3A_41, %add3A_40, %select_n3A_31 : vector<512x128xi1>, vector<512x128xf32>
    %jit3A_43 = arith.constant 3 : i32
    %broadcast_in_dim3A_44 = vector.broadcast %jit3A_43 : i32 to vector<512x128xi32>
    %select_n3A_45 = arith.select %lt3A_41, %broadcast_in_dim3A_44, %select_n3A_34 : vector<512x128xi1>, vector<512x128xi32>
    %slice3A_46 = vector.extract_strided_slice %dot_general3A_11 {offsets = [0, 512], sizes = [512, 128], strides = [1, 1]} : vector<512x8192xf32> to vector<512x128xf32>
    %sub3A_47 = vector.broadcast %get3A_7 : vector<512x1xf32> to vector<512x128xf32>
    %sub3A_48 = arith.subf %sub3A_47, %slice3A_46 : vector<512x128xf32>
    %slice3A_49 = vector.extract_strided_slice %get3A_10 {offsets = [0, 512], sizes = [1, 128], strides = [1, 1]} : vector<1x8192xf32> to vector<1x128xf32>
    %add3A_50 = vector.broadcast %slice3A_49 : vector<1x128xf32> to vector<512x128xf32>
    %add3A_51 = arith.addf %sub3A_48, %add3A_50 : vector<512x128xf32>
    %lt3A_52 = arith.cmpf olt, %add3A_51, %select_n3A_42 : vector<512x128xf32>
    %select_n3A_53 = arith.select %lt3A_52, %add3A_51, %select_n3A_42 : vector<512x128xi1>, vector<512x128xf32>
    %jit3A_54 = arith.constant 4 : i32
    %broadcast_in_dim3A_55 = vector.broadcast %jit3A_54 : i32 to vector<512x128xi32>
    %select_n3A_56 = arith.select %lt3A_52, %broadcast_in_dim3A_55, %select_n3A_45 : vector<512x128xi1>, vector<512x128xi32>
    %slice3A_57 = vector.extract_strided_slice %dot_general3A_11 {offsets = [0, 640], sizes = [512, 128], strides = [1, 1]} : vector<512x8192xf32> to vector<512x128xf32>
    %sub3A_58 = vector.broadcast %get3A_7 : vector<512x1xf32> to vector<512x128xf32>
    %sub3A_59 = arith.subf %sub3A_58, %slice3A_57 : vector<512x128xf32>
    %slice3A_60 = vector.extract_strided_slice %get3A_10 {offsets = [0, 640], sizes = [1, 128], strides = [1, 1]} : vector<1x8192xf32> to vector<1x128xf32>
    %add3A_61 = vector.broadcast %slice3A_60 : vector<1x128xf32> to vector<512x128xf32>
    %add3A_62 = arith.addf %sub3A_59, %add3A_61 : vector<512x128xf32>
    %lt3A_63 = arith.cmpf olt, %add3A_62, %select_n3A_53 : vector<512x128xf32>
    %select_n3A_64 = arith.select %lt3A_63, %add3A_62, %select_n3A_53 : vector<512x128xi1>, vector<512x128xf32>
    %jit3A_65 = arith.constant 5 : i32
    %broadcast_in_dim3A_66 = vector.broadcast %jit3A_65 : i32 to vector<512x128xi32>
    %select_n3A_67 = arith.select %lt3A_63, %broadcast_in_dim3A_66, %select_n3A_56 : vector<512x128xi1>, vector<512x128xi32>
    %slice3A_68 = vector.extract_strided_slice %dot_general3A_11 {offsets = [0, 768], sizes = [512, 128], strides = [1, 1]} : vector<512x8192xf32> to vector<512x128xf32>
    %sub3A_69 = vector.broadcast %get3A_7 : vector<512x1xf32> to vector<512x128xf32>
    %sub3A_70 = arith.subf %sub3A_69, %slice3A_68 : vector<512x128xf32>
    %slice3A_71 = vector.extract_strided_slice %get3A_10 {offsets = [0, 768], sizes = [1, 128], strides = [1, 1]} : vector<1x8192xf32> to vector<1x128xf32>
    %add3A_72 = vector.broadcast %slice3A_71 : vector<1x128xf32> to vector<512x128xf32>
    %add3A_73 = arith.addf %sub3A_70, %add3A_72 : vector<512x128xf32>
    %lt3A_74 = arith.cmpf olt, %add3A_73, %select_n3A_64 : vector<512x128xf32>
    %select_n3A_75 = arith.select %lt3A_74, %add3A_73, %select_n3A_64 : vector<512x128xi1>, vector<512x128xf32>
    %jit3A_76 = arith.constant 6 : i32
    %broadcast_in_dim3A_77 = vector.broadcast %jit3A_76 : i32 to vector<512x128xi32>
    %select_n3A_78 = arith.select %lt3A_74, %broadcast_in_dim3A_77, %select_n3A_67 : vector<512x128xi1>, vector<512x128xi32>
    %slice3A_79 = vector.extract_strided_slice %dot_general3A_11 {offsets = [0, 896], sizes = [512, 128], strides = [1, 1]} : vector<512x8192xf32> to vector<512x128xf32>
    %sub3A_80 = vector.broadcast %get3A_7 : vector<512x1xf32> to vector<512x128xf32>
    %sub3A_81 = arith.subf %sub3A_80, %slice3A_79 : vector<512x128xf32>
    %slice3A_82 = vector.extract_strided_slice %get3A_10 {offsets = [0, 896], sizes = [1, 128], strides = [1, 1]} : vector<1x8192xf32> to vector<1x128xf32>
    %add3A_83 = vector.broadcast %slice3A_82 : vector<1x128xf32> to vector<512x128xf32>
    %add3A_84 = arith.addf %sub3A_81, %add3A_83 : vector<512x128xf32>
    %lt3A_85 = arith.cmpf olt, %add3A_84, %select_n3A_75 : vector<512x128xf32>
    %select_n3A_86 = arith.select %lt3A_85, %add3A_84, %select_n3A_75 : vector<512x128xi1>, vector<512x128xf32>
    %jit3A_87 = arith.constant 7 : i32
    %broadcast_in_dim3A_88 = vector.broadcast %jit3A_87 : i32 to vector<512x128xi32>
    %select_n3A_89 = arith.select %lt3A_85, %broadcast_in_dim3A_88, %select_n3A_78 : vector<512x128xi1>, vector<512x128xi32>
    %slice3A_90 = vector.extract_strided_slice %dot_general3A_11 {offsets = [0, 1024], sizes = [512, 128], strides = [1, 1]} : vector<512x8192xf32> to vector<512x128xf32>
    %sub3A_91 = vector.broadcast %get3A_7 : vector<512x1xf32> to vector<512x128xf32>
    %sub3A_92 = arith.subf %sub3A_91, %slice3A_90 : vector<512x128xf32>
    %slice3A_93 = vector.extract_strided_slice %get3A_10 {offsets = [0, 1024], sizes = [1, 128], strides = [1, 1]} : vector<1x8192xf32> to vector<1x128xf32>
    %add3A_94 = vector.broadcast %slice3A_93 : vector<1x128xf32> to vector<512x128xf32>
    %add3A_95 = arith.addf %sub3A_92, %add3A_94 : vector<512x128xf32>
    %lt3A_96 = arith.cmpf olt, %add3A_95, %select_n3A_86 : vector<512x128xf32>
    %select_n3A_97 = arith.select %lt3A_96, %add3A_95, %select_n3A_86 : vector<512x128xi1>, vector<512x128xf32>
    %jit3A_98 = arith.constant 8 : i32
    %broadcast_in_dim3A_99 = vector.broadcast %jit3A_98 : i32 to vector<512x128xi32>
    %select_n3A_100 = arith.select %lt3A_96, %broadcast_in_dim3A_99, %select_n3A_89 : vector<512x128xi1>, vector<512x128xi32>
    %slice3A_101 = vector.extract_strided_slice %dot_general3A_11 {offsets = [0, 1152], sizes = [512, 128], strides = [1, 1]} : vector<512x8192xf32> to vector<512x128xf32>
    %sub3A_102 = vector.broadcast %get3A_7 : vector<512x1xf32> to vector<512x128xf32>
    %sub3A_103 = arith.subf %sub3A_102, %slice3A_101 : vector<512x128xf32>
    %slice3A_104 = vector.extract_strided_slice %get3A_10 {offsets = [0, 1152], sizes = [1, 128], strides = [1, 1]} : vector<1x8192xf32> to vector<1x128xf32>
    %add3A_105 = vector.broadcast %slice3A_104 : vector<1x128xf32> to vector<512x128xf32>
    %add3A_106 = arith.addf %sub3A_103, %add3A_105 : vector<512x128xf32>
    %lt3A_107 = arith.cmpf olt, %add3A_106, %select_n3A_97 : vector<512x128xf32>
    %select_n3A_108 = arith.select %lt3A_107, %add3A_106, %select_n3A_97 : vector<512x128xi1>, vector<512x128xf32>
    %jit3A_109 = arith.constant 9 : i32
    %broadcast_in_dim3A_110 = vector.broadcast %jit3A_109 : i32 to vector<512x128xi32>
    %select_n3A_111 = arith.select %lt3A_107, %broadcast_in_dim3A_110, %select_n3A_100 : vector<512x128xi1>, vector<512x128xi32>
    %slice3A_112 = vector.extract_strided_slice %dot_general3A_11 {offsets = [0, 1280], sizes = [512, 128], strides = [1, 1]} : vector<512x8192xf32> to vector<512x128xf32>
    %sub3A_113 = vector.broadcast %get3A_7 : vector<512x1xf32> to vector<512x128xf32>
    %sub3A_114 = arith.subf %sub3A_113, %slice3A_112 : vector<512x128xf32>
    %slice3A_115 = vector.extract_strided_slice %get3A_10 {offsets = [0, 1280], sizes = [1, 128], strides = [1, 1]} : vector<1x8192xf32> to vector<1x128xf32>
    %add3A_116 = vector.broadcast %slice3A_115 : vector<1x128xf32> to vector<512x128xf32>
    %add3A_117 = arith.addf %sub3A_114, %add3A_116 : vector<512x128xf32>
    %lt3A_118 = arith.cmpf olt, %add3A_117, %select_n3A_108 : vector<512x128xf32>
    %select_n3A_119 = arith.select %lt3A_118, %add3A_117, %select_n3A_108 : vector<512x128xi1>, vector<512x128xf32>
    %jit3A_120 = arith.constant 10 : i32
    %broadcast_in_dim3A_121 = vector.broadcast %jit3A_120 : i32 to vector<512x128xi32>
    %select_n3A_122 = arith.select %lt3A_118, %broadcast_in_dim3A_121, %select_n3A_111 : vector<512x128xi1>, vector<512x128xi32>
    %slice3A_123 = vector.extract_strided_slice %dot_general3A_11 {offsets = [0, 1408], sizes = [512, 128], strides = [1, 1]} : vector<512x8192xf32> to vector<512x128xf32>
    %sub3A_124 = vector.broadcast %get3A_7 : vector<512x1xf32> to vector<512x128xf32>
    %sub3A_125 = arith.subf %sub3A_124, %slice3A_123 : vector<512x128xf32>
    %slice3A_126 = vector.extract_strided_slice %get3A_10 {offsets = [0, 1408], sizes = [1, 128], strides = [1, 1]} : vector<1x8192xf32> to vector<1x128xf32>
    %add3A_127 = vector.broadcast %slice3A_126 : vector<1x128xf32> to vector<512x128xf32>
    %add3A_128 = arith.addf %sub3A_125, %add3A_127 : vector<512x128xf32>
    %lt3A_129 = arith.cmpf olt, %add3A_128, %select_n3A_119 : vector<512x128xf32>
    %select_n3A_130 = arith.select %lt3A_129, %add3A_128, %select_n3A_119 : vector<512x128xi1>, vector<512x128xf32>
    %jit3A_131 = arith.constant 11 : i32
    %broadcast_in_dim3A_132 = vector.broadcast %jit3A_131 : i32 to vector<512x128xi32>
    %select_n3A_133 = arith.select %lt3A_129, %broadcast_in_dim3A_132, %select_n3A_122 : vector<512x128xi1>, vector<512x128xi32>
    %slice3A_134 = vector.extract_strided_slice %dot_general3A_11 {offsets = [0, 1536], sizes = [512, 128], strides = [1, 1]} : vector<512x8192xf32> to vector<512x128xf32>
    %sub3A_135 = vector.broadcast %get3A_7 : vector<512x1xf32> to vector<512x128xf32>
    %sub3A_136 = arith.subf %sub3A_135, %slice3A_134 : vector<512x128xf32>
    %slice3A_137 = vector.extract_strided_slice %get3A_10 {offsets = [0, 1536], sizes = [1, 128], strides = [1, 1]} : vector<1x8192xf32> to vector<1x128xf32>
    %add3A_138 = vector.broadcast %slice3A_137 : vector<1x128xf32> to vector<512x128xf32>
    %add3A_139 = arith.addf %sub3A_136, %add3A_138 : vector<512x128xf32>
    %lt3A_140 = arith.cmpf olt, %add3A_139, %select_n3A_130 : vector<512x128xf32>
    %select_n3A_141 = arith.select %lt3A_140, %add3A_139, %select_n3A_130 : vector<512x128xi1>, vector<512x128xf32>
    %jit3A_142 = arith.constant 12 : i32
    %broadcast_in_dim3A_143 = vector.broadcast %jit3A_142 : i32 to vector<512x128xi32>
    %select_n3A_144 = arith.select %lt3A_140, %broadcast_in_dim3A_143, %select_n3A_133 : vector<512x128xi1>, vector<512x128xi32>
    %slice3A_145 = vector.extract_strided_slice %dot_general3A_11 {offsets = [0, 1664], sizes = [512, 128], strides = [1, 1]} : vector<512x8192xf32> to vector<512x128xf32>
    %sub3A_146 = vector.broadcast %get3A_7 : vector<512x1xf32> to vector<512x128xf32>
    %sub3A_147 = arith.subf %sub3A_146, %slice3A_145 : vector<512x128xf32>
    %slice3A_148 = vector.extract_strided_slice %get3A_10 {offsets = [0, 1664], sizes = [1, 128], strides = [1, 1]} : vector<1x8192xf32> to vector<1x128xf32>
    %add3A_149 = vector.broadcast %slice3A_148 : vector<1x128xf32> to vector<512x128xf32>
    %add3A_150 = arith.addf %sub3A_147, %add3A_149 : vector<512x128xf32>
    %lt3A_151 = arith.cmpf olt, %add3A_150, %select_n3A_141 : vector<512x128xf32>
    %select_n3A_152 = arith.select %lt3A_151, %add3A_150, %select_n3A_141 : vector<512x128xi1>, vector<512x128xf32>
    %jit3A_153 = arith.constant 13 : i32
    %broadcast_in_dim3A_154 = vector.broadcast %jit3A_153 : i32 to vector<512x128xi32>
    %select_n3A_155 = arith.select %lt3A_151, %broadcast_in_dim3A_154, %select_n3A_144 : vector<512x128xi1>, vector<512x128xi32>
    %slice3A_156 = vector.extract_strided_slice %dot_general3A_11 {offsets = [0, 1792], sizes = [512, 128], strides = [1, 1]} : vector<512x8192xf32> to vector<512x128xf32>
    %sub3A_157 = vector.broadcast %get3A_7 : vector<512x1xf32> to vector<512x128xf32>
    %sub3A_158 = arith.subf %sub3A_157, %slice3A_156 : vector<512x128xf32>
    %slice3A_159 = vector.extract_strided_slice %get3A_10 {offsets = [0, 1792], sizes = [1, 128], strides = [1, 1]} : vector<1x8192xf32> to vector<1x128xf32>
    %add3A_160 = vector.broadcast %slice3A_159 : vector<1x128xf32> to vector<512x128xf32>
    %add3A_161 = arith.addf %sub3A_158, %add3A_160 : vector<512x128xf32>
    %lt3A_162 = arith.cmpf olt, %add3A_161, %select_n3A_152 : vector<512x128xf32>
    %select_n3A_163 = arith.select %lt3A_162, %add3A_161, %select_n3A_152 : vector<512x128xi1>, vector<512x128xf32>
    %jit3A_164 = arith.constant 14 : i32
    %broadcast_in_dim3A_165 = vector.broadcast %jit3A_164 : i32 to vector<512x128xi32>
    %select_n3A_166 = arith.select %lt3A_162, %broadcast_in_dim3A_165, %select_n3A_155 : vector<512x128xi1>, vector<512x128xi32>
    %slice3A_167 = vector.extract_strided_slice %dot_general3A_11 {offsets = [0, 1920], sizes = [512, 128], strides = [1, 1]} : vector<512x8192xf32> to vector<512x128xf32>
    %sub3A_168 = vector.broadcast %get3A_7 : vector<512x1xf32> to vector<512x128xf32>
    %sub3A_169 = arith.subf %sub3A_168, %slice3A_167 : vector<512x128xf32>
    %slice3A_170 = vector.extract_strided_slice %get3A_10 {offsets = [0, 1920], sizes = [1, 128], strides = [1, 1]} : vector<1x8192xf32> to vector<1x128xf32>
    %add3A_171 = vector.broadcast %slice3A_170 : vector<1x128xf32> to vector<512x128xf32>
    %add3A_172 = arith.addf %sub3A_169, %add3A_171 : vector<512x128xf32>
    %lt3A_173 = arith.cmpf olt, %add3A_172, %select_n3A_163 : vector<512x128xf32>
    %select_n3A_174 = arith.select %lt3A_173, %add3A_172, %select_n3A_163 : vector<512x128xi1>, vector<512x128xf32>
    %jit3A_175 = arith.constant 15 : i32
    %broadcast_in_dim3A_176 = vector.broadcast %jit3A_175 : i32 to vector<512x128xi32>
    %select_n3A_177 = arith.select %lt3A_173, %broadcast_in_dim3A_176, %select_n3A_166 : vector<512x128xi1>, vector<512x128xi32>
    %slice3A_178 = vector.extract_strided_slice %dot_general3A_11 {offsets = [0, 2048], sizes = [512, 128], strides = [1, 1]} : vector<512x8192xf32> to vector<512x128xf32>
    %sub3A_179 = vector.broadcast %get3A_7 : vector<512x1xf32> to vector<512x128xf32>
    %sub3A_180 = arith.subf %sub3A_179, %slice3A_178 : vector<512x128xf32>
    %slice3A_181 = vector.extract_strided_slice %get3A_10 {offsets = [0, 2048], sizes = [1, 128], strides = [1, 1]} : vector<1x8192xf32> to vector<1x128xf32>
    %add3A_182 = vector.broadcast %slice3A_181 : vector<1x128xf32> to vector<512x128xf32>
    %add3A_183 = arith.addf %sub3A_180, %add3A_182 : vector<512x128xf32>
    %lt3A_184 = arith.cmpf olt, %add3A_183, %select_n3A_174 : vector<512x128xf32>
    %select_n3A_185 = arith.select %lt3A_184, %add3A_183, %select_n3A_174 : vector<512x128xi1>, vector<512x128xf32>
    %jit3A_186 = arith.constant 16 : i32
    %broadcast_in_dim3A_187 = vector.broadcast %jit3A_186 : i32 to vector<512x128xi32>
    %select_n3A_188 = arith.select %lt3A_184, %broadcast_in_dim3A_187, %select_n3A_177 : vector<512x128xi1>, vector<512x128xi32>
    %slice3A_189 = vector.extract_strided_slice %dot_general3A_11 {offsets = [0, 2176], sizes = [512, 128], strides = [1, 1]} : vector<512x8192xf32> to vector<512x128xf32>
    %sub3A_190 = vector.broadcast %get3A_7 : vector<512x1xf32> to vector<512x128xf32>
    %sub3A_191 = arith.subf %sub3A_190, %slice3A_189 : vector<512x128xf32>
    %slice3A_192 = vector.extract_strided_slice %get3A_10 {offsets = [0, 2176], sizes = [1, 128], strides = [1, 1]} : vector<1x8192xf32> to vector<1x128xf32>
    %add3A_193 = vector.broadcast %slice3A_192 : vector<1x128xf32> to vector<512x128xf32>
    %add3A_194 = arith.addf %sub3A_191, %add3A_193 : vector<512x128xf32>
    %lt3A_195 = arith.cmpf olt, %add3A_194, %select_n3A_185 : vector<512x128xf32>
    %select_n3A_196 = arith.select %lt3A_195, %add3A_194, %select_n3A_185 : vector<512x128xi1>, vector<512x128xf32>
    %jit3A_197 = arith.constant 17 : i32
    %broadcast_in_dim3A_198 = vector.broadcast %jit3A_197 : i32 to vector<512x128xi32>
    %select_n3A_199 = arith.select %lt3A_195, %broadcast_in_dim3A_198, %select_n3A_188 : vector<512x128xi1>, vector<512x128xi32>
    %slice3A_200 = vector.extract_strided_slice %dot_general3A_11 {offsets = [0, 2304], sizes = [512, 128], strides = [1, 1]} : vector<512x8192xf32> to vector<512x128xf32>
    %sub3A_201 = vector.broadcast %get3A_7 : vector<512x1xf32> to vector<512x128xf32>
    %sub3A_202 = arith.subf %sub3A_201, %slice3A_200 : vector<512x128xf32>
    %slice3A_203 = vector.extract_strided_slice %get3A_10 {offsets = [0, 2304], sizes = [1, 128], strides = [1, 1]} : vector<1x8192xf32> to vector<1x128xf32>
    %add3A_204 = vector.broadcast %slice3A_203 : vector<1x128xf32> to vector<512x128xf32>
    %add3A_205 = arith.addf %sub3A_202, %add3A_204 : vector<512x128xf32>
    %lt3A_206 = arith.cmpf olt, %add3A_205, %select_n3A_196 : vector<512x128xf32>
    %select_n3A_207 = arith.select %lt3A_206, %add3A_205, %select_n3A_196 : vector<512x128xi1>, vector<512x128xf32>
    %jit3A_208 = arith.constant 18 : i32
    %broadcast_in_dim3A_209 = vector.broadcast %jit3A_208 : i32 to vector<512x128xi32>
    %select_n3A_210 = arith.select %lt3A_206, %broadcast_in_dim3A_209, %select_n3A_199 : vector<512x128xi1>, vector<512x128xi32>
    %slice3A_211 = vector.extract_strided_slice %dot_general3A_11 {offsets = [0, 2432], sizes = [512, 128], strides = [1, 1]} : vector<512x8192xf32> to vector<512x128xf32>
    %sub3A_212 = vector.broadcast %get3A_7 : vector<512x1xf32> to vector<512x128xf32>
    %sub3A_213 = arith.subf %sub3A_212, %slice3A_211 : vector<512x128xf32>
    %slice3A_214 = vector.extract_strided_slice %get3A_10 {offsets = [0, 2432], sizes = [1, 128], strides = [1, 1]} : vector<1x8192xf32> to vector<1x128xf32>
    %add3A_215 = vector.broadcast %slice3A_214 : vector<1x128xf32> to vector<512x128xf32>
    %add3A_216 = arith.addf %sub3A_213, %add3A_215 : vector<512x128xf32>
    %lt3A_217 = arith.cmpf olt, %add3A_216, %select_n3A_207 : vector<512x128xf32>
    %select_n3A_218 = arith.select %lt3A_217, %add3A_216, %select_n3A_207 : vector<512x128xi1>, vector<512x128xf32>
    %jit3A_219 = arith.constant 19 : i32
    %broadcast_in_dim3A_220 = vector.broadcast %jit3A_219 : i32 to vector<512x128xi32>
    %select_n3A_221 = arith.select %lt3A_217, %broadcast_in_dim3A_220, %select_n3A_210 : vector<512x128xi1>, vector<512x128xi32>
    %slice3A_222 = vector.extract_strided_slice %dot_general3A_11 {offsets = [0, 2560], sizes = [512, 128], strides = [1, 1]} : vector<512x8192xf32> to vector<512x128xf32>
    %sub3A_223 = vector.broadcast %get3A_7 : vector<512x1xf32> to vector<512x128xf32>
    %sub3A_224 = arith.subf %sub3A_223, %slice3A_222 : vector<512x128xf32>
    %slice3A_225 = vector.extract_strided_slice %get3A_10 {offsets = [0, 2560], sizes = [1, 128], strides = [1, 1]} : vector<1x8192xf32> to vector<1x128xf32>
    %add3A_226 = vector.broadcast %slice3A_225 : vector<1x128xf32> to vector<512x128xf32>
    %add3A_227 = arith.addf %sub3A_224, %add3A_226 : vector<512x128xf32>
    %lt3A_228 = arith.cmpf olt, %add3A_227, %select_n3A_218 : vector<512x128xf32>
    %select_n3A_229 = arith.select %lt3A_228, %add3A_227, %select_n3A_218 : vector<512x128xi1>, vector<512x128xf32>
    %jit3A_230 = arith.constant 20 : i32
    %broadcast_in_dim3A_231 = vector.broadcast %jit3A_230 : i32 to vector<512x128xi32>
    %select_n3A_232 = arith.select %lt3A_228, %broadcast_in_dim3A_231, %select_n3A_221 : vector<512x128xi1>, vector<512x128xi32>
    %slice3A_233 = vector.extract_strided_slice %dot_general3A_11 {offsets = [0, 2688], sizes = [512, 128], strides = [1, 1]} : vector<512x8192xf32> to vector<512x128xf32>
    %sub3A_234 = vector.broadcast %get3A_7 : vector<512x1xf32> to vector<512x128xf32>
    %sub3A_235 = arith.subf %sub3A_234, %slice3A_233 : vector<512x128xf32>
    %slice3A_236 = vector.extract_strided_slice %get3A_10 {offsets = [0, 2688], sizes = [1, 128], strides = [1, 1]} : vector<1x8192xf32> to vector<1x128xf32>
    %add3A_237 = vector.broadcast %slice3A_236 : vector<1x128xf32> to vector<512x128xf32>
    %add3A_238 = arith.addf %sub3A_235, %add3A_237 : vector<512x128xf32>
    %lt3A_239 = arith.cmpf olt, %add3A_238, %select_n3A_229 : vector<512x128xf32>
    %select_n3A_240 = arith.select %lt3A_239, %add3A_238, %select_n3A_229 : vector<512x128xi1>, vector<512x128xf32>
    %jit3A_241 = arith.constant 21 : i32
    %broadcast_in_dim3A_242 = vector.broadcast %jit3A_241 : i32 to vector<512x128xi32>
    %select_n3A_243 = arith.select %lt3A_239, %broadcast_in_dim3A_242, %select_n3A_232 : vector<512x128xi1>, vector<512x128xi32>
    %slice3A_244 = vector.extract_strided_slice %dot_general3A_11 {offsets = [0, 2816], sizes = [512, 128], strides = [1, 1]} : vector<512x8192xf32> to vector<512x128xf32>
    %sub3A_245 = vector.broadcast %get3A_7 : vector<512x1xf32> to vector<512x128xf32>
    %sub3A_246 = arith.subf %sub3A_245, %slice3A_244 : vector<512x128xf32>
    %slice3A_247 = vector.extract_strided_slice %get3A_10 {offsets = [0, 2816], sizes = [1, 128], strides = [1, 1]} : vector<1x8192xf32> to vector<1x128xf32>
    %add3A_248 = vector.broadcast %slice3A_247 : vector<1x128xf32> to vector<512x128xf32>
    %add3A_249 = arith.addf %sub3A_246, %add3A_248 : vector<512x128xf32>
    %lt3A_250 = arith.cmpf olt, %add3A_249, %select_n3A_240 : vector<512x128xf32>
    %select_n3A_251 = arith.select %lt3A_250, %add3A_249, %select_n3A_240 : vector<512x128xi1>, vector<512x128xf32>
    %jit3A_252 = arith.constant 22 : i32
    %broadcast_in_dim3A_253 = vector.broadcast %jit3A_252 : i32 to vector<512x128xi32>
    %select_n3A_254 = arith.select %lt3A_250, %broadcast_in_dim3A_253, %select_n3A_243 : vector<512x128xi1>, vector<512x128xi32>
    %slice3A_255 = vector.extract_strided_slice %dot_general3A_11 {offsets = [0, 2944], sizes = [512, 128], strides = [1, 1]} : vector<512x8192xf32> to vector<512x128xf32>
    %sub3A_256 = vector.broadcast %get3A_7 : vector<512x1xf32> to vector<512x128xf32>
    %sub3A_257 = arith.subf %sub3A_256, %slice3A_255 : vector<512x128xf32>
    %slice3A_258 = vector.extract_strided_slice %get3A_10 {offsets = [0, 2944], sizes = [1, 128], strides = [1, 1]} : vector<1x8192xf32> to vector<1x128xf32>
    %add3A_259 = vector.broadcast %slice3A_258 : vector<1x128xf32> to vector<512x128xf32>
    %add3A_260 = arith.addf %sub3A_257, %add3A_259 : vector<512x128xf32>
    %lt3A_261 = arith.cmpf olt, %add3A_260, %select_n3A_251 : vector<512x128xf32>
    %select_n3A_262 = arith.select %lt3A_261, %add3A_260, %select_n3A_251 : vector<512x128xi1>, vector<512x128xf32>
    %jit3A_263 = arith.constant 23 : i32
    %broadcast_in_dim3A_264 = vector.broadcast %jit3A_263 : i32 to vector<512x128xi32>
    %select_n3A_265 = arith.select %lt3A_261, %broadcast_in_dim3A_264, %select_n3A_254 : vector<512x128xi1>, vector<512x128xi32>
    %slice3A_266 = vector.extract_strided_slice %dot_general3A_11 {offsets = [0, 3072], sizes = [512, 128], strides = [1, 1]} : vector<512x8192xf32> to vector<512x128xf32>
    %sub3A_267 = vector.broadcast %get3A_7 : vector<512x1xf32> to vector<512x128xf32>
    %sub3A_268 = arith.subf %sub3A_267, %slice3A_266 : vector<512x128xf32>
    %slice3A_269 = vector.extract_strided_slice %get3A_10 {offsets = [0, 3072], sizes = [1, 128], strides = [1, 1]} : vector<1x8192xf32> to vector<1x128xf32>
    %add3A_270 = vector.broadcast %slice3A_269 : vector<1x128xf32> to vector<512x128xf32>
    %add3A_271 = arith.addf %sub3A_268, %add3A_270 : vector<512x128xf32>
    %lt3A_272 = arith.cmpf olt, %add3A_271, %select_n3A_262 : vector<512x128xf32>
    %select_n3A_273 = arith.select %lt3A_272, %add3A_271, %select_n3A_262 : vector<512x128xi1>, vector<512x128xf32>
    %jit3A_274 = arith.constant 24 : i32
    %broadcast_in_dim3A_275 = vector.broadcast %jit3A_274 : i32 to vector<512x128xi32>
    %select_n3A_276 = arith.select %lt3A_272, %broadcast_in_dim3A_275, %select_n3A_265 : vector<512x128xi1>, vector<512x128xi32>
    %slice3A_277 = vector.extract_strided_slice %dot_general3A_11 {offsets = [0, 3200], sizes = [512, 128], strides = [1, 1]} : vector<512x8192xf32> to vector<512x128xf32>
    %sub3A_278 = vector.broadcast %get3A_7 : vector<512x1xf32> to vector<512x128xf32>
    %sub3A_279 = arith.subf %sub3A_278, %slice3A_277 : vector<512x128xf32>
    %slice3A_280 = vector.extract_strided_slice %get3A_10 {offsets = [0, 3200], sizes = [1, 128], strides = [1, 1]} : vector<1x8192xf32> to vector<1x128xf32>
    %add3A_281 = vector.broadcast %slice3A_280 : vector<1x128xf32> to vector<512x128xf32>
    %add3A_282 = arith.addf %sub3A_279, %add3A_281 : vector<512x128xf32>
    %lt3A_283 = arith.cmpf olt, %add3A_282, %select_n3A_273 : vector<512x128xf32>
    %select_n3A_284 = arith.select %lt3A_283, %add3A_282, %select_n3A_273 : vector<512x128xi1>, vector<512x128xf32>
    %jit3A_285 = arith.constant 25 : i32
    %broadcast_in_dim3A_286 = vector.broadcast %jit3A_285 : i32 to vector<512x128xi32>
    %select_n3A_287 = arith.select %lt3A_283, %broadcast_in_dim3A_286, %select_n3A_276 : vector<512x128xi1>, vector<512x128xi32>
    %slice3A_288 = vector.extract_strided_slice %dot_general3A_11 {offsets = [0, 3328], sizes = [512, 128], strides = [1, 1]} : vector<512x8192xf32> to vector<512x128xf32>
    %sub3A_289 = vector.broadcast %get3A_7 : vector<512x1xf32> to vector<512x128xf32>
    %sub3A_290 = arith.subf %sub3A_289, %slice3A_288 : vector<512x128xf32>
    %slice3A_291 = vector.extract_strided_slice %get3A_10 {offsets = [0, 3328], sizes = [1, 128], strides = [1, 1]} : vector<1x8192xf32> to vector<1x128xf32>
    %add3A_292 = vector.broadcast %slice3A_291 : vector<1x128xf32> to vector<512x128xf32>
    %add3A_293 = arith.addf %sub3A_290, %add3A_292 : vector<512x128xf32>
    %lt3A_294 = arith.cmpf olt, %add3A_293, %select_n3A_284 : vector<512x128xf32>
    %select_n3A_295 = arith.select %lt3A_294, %add3A_293, %select_n3A_284 : vector<512x128xi1>, vector<512x128xf32>
    %jit3A_296 = arith.constant 26 : i32
    %broadcast_in_dim3A_297 = vector.broadcast %jit3A_296 : i32 to vector<512x128xi32>
    %select_n3A_298 = arith.select %lt3A_294, %broadcast_in_dim3A_297, %select_n3A_287 : vector<512x128xi1>, vector<512x128xi32>
    %slice3A_299 = vector.extract_strided_slice %dot_general3A_11 {offsets = [0, 3456], sizes = [512, 128], strides = [1, 1]} : vector<512x8192xf32> to vector<512x128xf32>
    %sub3A_300 = vector.broadcast %get3A_7 : vector<512x1xf32> to vector<512x128xf32>
    %sub3A_301 = arith.subf %sub3A_300, %slice3A_299 : vector<512x128xf32>
    %slice3A_302 = vector.extract_strided_slice %get3A_10 {offsets = [0, 3456], sizes = [1, 128], strides = [1, 1]} : vector<1x8192xf32> to vector<1x128xf32>
    %add3A_303 = vector.broadcast %slice3A_302 : vector<1x128xf32> to vector<512x128xf32>
    %add3A_304 = arith.addf %sub3A_301, %add3A_303 : vector<512x128xf32>
    %lt3A_305 = arith.cmpf olt, %add3A_304, %select_n3A_295 : vector<512x128xf32>
    %select_n3A_306 = arith.select %lt3A_305, %add3A_304, %select_n3A_295 : vector<512x128xi1>, vector<512x128xf32>
    %jit3A_307 = arith.constant 27 : i32
    %broadcast_in_dim3A_308 = vector.broadcast %jit3A_307 : i32 to vector<512x128xi32>
    %select_n3A_309 = arith.select %lt3A_305, %broadcast_in_dim3A_308, %select_n3A_298 : vector<512x128xi1>, vector<512x128xi32>
    %slice3A_310 = vector.extract_strided_slice %dot_general3A_11 {offsets = [0, 3584], sizes = [512, 128], strides = [1, 1]} : vector<512x8192xf32> to vector<512x128xf32>
    %sub3A_311 = vector.broadcast %get3A_7 : vector<512x1xf32> to vector<512x128xf32>
    %sub3A_312 = arith.subf %sub3A_311, %slice3A_310 : vector<512x128xf32>
    %slice3A_313 = vector.extract_strided_slice %get3A_10 {offsets = [0, 3584], sizes = [1, 128], strides = [1, 1]} : vector<1x8192xf32> to vector<1x128xf32>
    %add3A_314 = vector.broadcast %slice3A_313 : vector<1x128xf32> to vector<512x128xf32>
    %add3A_315 = arith.addf %sub3A_312, %add3A_314 : vector<512x128xf32>
    %lt3A_316 = arith.cmpf olt, %add3A_315, %select_n3A_306 : vector<512x128xf32>
    %select_n3A_317 = arith.select %lt3A_316, %add3A_315, %select_n3A_306 : vector<512x128xi1>, vector<512x128xf32>
    %jit3A_318 = arith.constant 28 : i32
    %broadcast_in_dim3A_319 = vector.broadcast %jit3A_318 : i32 to vector<512x128xi32>
    %select_n3A_320 = arith.select %lt3A_316, %broadcast_in_dim3A_319, %select_n3A_309 : vector<512x128xi1>, vector<512x128xi32>
    %slice3A_321 = vector.extract_strided_slice %dot_general3A_11 {offsets = [0, 3712], sizes = [512, 128], strides = [1, 1]} : vector<512x8192xf32> to vector<512x128xf32>
    %sub3A_322 = vector.broadcast %get3A_7 : vector<512x1xf32> to vector<512x128xf32>
    %sub3A_323 = arith.subf %sub3A_322, %slice3A_321 : vector<512x128xf32>
    %slice3A_324 = vector.extract_strided_slice %get3A_10 {offsets = [0, 3712], sizes = [1, 128], strides = [1, 1]} : vector<1x8192xf32> to vector<1x128xf32>
    %add3A_325 = vector.broadcast %slice3A_324 : vector<1x128xf32> to vector<512x128xf32>
    %add3A_326 = arith.addf %sub3A_323, %add3A_325 : vector<512x128xf32>
    %lt3A_327 = arith.cmpf olt, %add3A_326, %select_n3A_317 : vector<512x128xf32>
    %select_n3A_328 = arith.select %lt3A_327, %add3A_326, %select_n3A_317 : vector<512x128xi1>, vector<512x128xf32>
    %jit3A_329 = arith.constant 29 : i32
    %broadcast_in_dim3A_330 = vector.broadcast %jit3A_329 : i32 to vector<512x128xi32>
    %select_n3A_331 = arith.select %lt3A_327, %broadcast_in_dim3A_330, %select_n3A_320 : vector<512x128xi1>, vector<512x128xi32>
    %slice3A_332 = vector.extract_strided_slice %dot_general3A_11 {offsets = [0, 3840], sizes = [512, 128], strides = [1, 1]} : vector<512x8192xf32> to vector<512x128xf32>
    %sub3A_333 = vector.broadcast %get3A_7 : vector<512x1xf32> to vector<512x128xf32>
    %sub3A_334 = arith.subf %sub3A_333, %slice3A_332 : vector<512x128xf32>
    %slice3A_335 = vector.extract_strided_slice %get3A_10 {offsets = [0, 3840], sizes = [1, 128], strides = [1, 1]} : vector<1x8192xf32> to vector<1x128xf32>
    %add3A_336 = vector.broadcast %slice3A_335 : vector<1x128xf32> to vector<512x128xf32>
    %add3A_337 = arith.addf %sub3A_334, %add3A_336 : vector<512x128xf32>
    %lt3A_338 = arith.cmpf olt, %add3A_337, %select_n3A_328 : vector<512x128xf32>
    %select_n3A_339 = arith.select %lt3A_338, %add3A_337, %select_n3A_328 : vector<512x128xi1>, vector<512x128xf32>
    %jit3A_340 = arith.constant 30 : i32
    %broadcast_in_dim3A_341 = vector.broadcast %jit3A_340 : i32 to vector<512x128xi32>
    %select_n3A_342 = arith.select %lt3A_338, %broadcast_in_dim3A_341, %select_n3A_331 : vector<512x128xi1>, vector<512x128xi32>
    %slice3A_343 = vector.extract_strided_slice %dot_general3A_11 {offsets = [0, 3968], sizes = [512, 128], strides = [1, 1]} : vector<512x8192xf32> to vector<512x128xf32>
    %sub3A_344 = vector.broadcast %get3A_7 : vector<512x1xf32> to vector<512x128xf32>
    %sub3A_345 = arith.subf %sub3A_344, %slice3A_343 : vector<512x128xf32>
    %slice3A_346 = vector.extract_strided_slice %get3A_10 {offsets = [0, 3968], sizes = [1, 128], strides = [1, 1]} : vector<1x8192xf32> to vector<1x128xf32>
    %add3A_347 = vector.broadcast %slice3A_346 : vector<1x128xf32> to vector<512x128xf32>
    %add3A_348 = arith.addf %sub3A_345, %add3A_347 : vector<512x128xf32>
    %lt3A_349 = arith.cmpf olt, %add3A_348, %select_n3A_339 : vector<512x128xf32>
    %select_n3A_350 = arith.select %lt3A_349, %add3A_348, %select_n3A_339 : vector<512x128xi1>, vector<512x128xf32>
    %jit3A_351 = arith.constant 31 : i32
    %broadcast_in_dim3A_352 = vector.broadcast %jit3A_351 : i32 to vector<512x128xi32>
    %select_n3A_353 = arith.select %lt3A_349, %broadcast_in_dim3A_352, %select_n3A_342 : vector<512x128xi1>, vector<512x128xi32>
    %reduce_min3A = arith.constant dense<0x7F800000> : vector<512xf32>
    %reduce_min3A_354 = vector.multi_reduction <minimumf>, %select_n3A_350, %reduce_min3A [1] : vector<512x128xf32> to vector<512xf32>
    %broadcast_in_dim3A_355 = vector.shape_cast %reduce_min3A_354 : vector<512xf32> to vector<512x1xf32>
    %mul3A = arith.constant 128 : i32
    %mul3A_356 = vector.broadcast %mul3A : i32 to vector<512x128xi32>
    %mul3A_357 = arith.muli %select_n3A_353, %mul3A_356 : vector<512x128xi32>
    %add3A_358 = arith.addi %mul3A_357, %iota3A : vector<512x128xi32>
    %eq3A = vector.broadcast %broadcast_in_dim3A_355 : vector<512x1xf32> to vector<512x128xf32>
    %eq3A_359 = arith.cmpf oeq, %select_n3A_350, %eq3A : vector<512x128xf32>
    %jit3A_360 = arith.constant 4096 : i32
    %broadcast_in_dim3A_361 = vector.broadcast %jit3A_360 : i32 to vector<512x128xi32>
    %select_n3A_362 = arith.select %eq3A_359, %add3A_358, %broadcast_in_dim3A_361 : vector<512x128xi1>, vector<512x128xi32>
    %reduce_min3A_363 = arith.constant dense<2147483647> : vector<512xi32>
    %reduce_min3A_364 = vector.multi_reduction <minsi>, %select_n3A_362, %reduce_min3A_363 [1] : vector<512x128xi32> to vector<512xi32>
    %broadcast_in_dim3A_365 = vector.shape_cast %reduce_min3A_364 : vector<512xi32> to vector<512x1xi32>
    %add3A_366 = arith.constant 0 : i32
    %add3A_367 = vector.broadcast %add3A_366 : i32 to vector<512x1xi32>
    %add3A_368 = arith.addi %broadcast_in_dim3A_365, %add3A_367 : vector<512x1xi32>
    %slice3A_369 = vector.extract_strided_slice %dot_general3A_11 {offsets = [0, 4096], sizes = [512, 128], strides = [1, 1]} : vector<512x8192xf32> to vector<512x128xf32>
    %sub3A_370 = vector.broadcast %get3A_7 : vector<512x1xf32> to vector<512x128xf32>
    %sub3A_371 = arith.subf %sub3A_370, %slice3A_369 : vector<512x128xf32>
    %slice3A_372 = vector.extract_strided_slice %get3A_10 {offsets = [0, 4096], sizes = [1, 128], strides = [1, 1]} : vector<1x8192xf32> to vector<1x128xf32>
    %add3A_373 = vector.broadcast %slice3A_372 : vector<1x128xf32> to vector<512x128xf32>
    %add3A_374 = arith.addf %sub3A_371, %add3A_373 : vector<512x128xf32>
    %broadcast_in_dim3A_375 = arith.constant 0 : i32
    %broadcast_in_dim3A_376 = vector.broadcast %broadcast_in_dim3A_375 : i32 to vector<512x128xi32>
    %slice3A_377 = vector.extract_strided_slice %dot_general3A_11 {offsets = [0, 4224], sizes = [512, 128], strides = [1, 1]} : vector<512x8192xf32> to vector<512x128xf32>
    %sub3A_378 = vector.broadcast %get3A_7 : vector<512x1xf32> to vector<512x128xf32>
    %sub3A_379 = arith.subf %sub3A_378, %slice3A_377 : vector<512x128xf32>
    %slice3A_380 = vector.extract_strided_slice %get3A_10 {offsets = [0, 4224], sizes = [1, 128], strides = [1, 1]} : vector<1x8192xf32> to vector<1x128xf32>
    %add3A_381 = vector.broadcast %slice3A_380 : vector<1x128xf32> to vector<512x128xf32>
    %add3A_382 = arith.addf %sub3A_379, %add3A_381 : vector<512x128xf32>
    %lt3A_383 = arith.cmpf olt, %add3A_382, %add3A_374 : vector<512x128xf32>
    %select_n3A_384 = arith.select %lt3A_383, %add3A_382, %add3A_374 : vector<512x128xi1>, vector<512x128xf32>
    %jit3A_385 = arith.constant 1 : i32
    %broadcast_in_dim3A_386 = vector.broadcast %jit3A_385 : i32 to vector<512x128xi32>
    %select_n3A_387 = arith.select %lt3A_383, %broadcast_in_dim3A_386, %broadcast_in_dim3A_376 : vector<512x128xi1>, vector<512x128xi32>
    %slice3A_388 = vector.extract_strided_slice %dot_general3A_11 {offsets = [0, 4352], sizes = [512, 128], strides = [1, 1]} : vector<512x8192xf32> to vector<512x128xf32>
    %sub3A_389 = vector.broadcast %get3A_7 : vector<512x1xf32> to vector<512x128xf32>
    %sub3A_390 = arith.subf %sub3A_389, %slice3A_388 : vector<512x128xf32>
    %slice3A_391 = vector.extract_strided_slice %get3A_10 {offsets = [0, 4352], sizes = [1, 128], strides = [1, 1]} : vector<1x8192xf32> to vector<1x128xf32>
    %add3A_392 = vector.broadcast %slice3A_391 : vector<1x128xf32> to vector<512x128xf32>
    %add3A_393 = arith.addf %sub3A_390, %add3A_392 : vector<512x128xf32>
    %lt3A_394 = arith.cmpf olt, %add3A_393, %select_n3A_384 : vector<512x128xf32>
    %select_n3A_395 = arith.select %lt3A_394, %add3A_393, %select_n3A_384 : vector<512x128xi1>, vector<512x128xf32>
    %jit3A_396 = arith.constant 2 : i32
    %broadcast_in_dim3A_397 = vector.broadcast %jit3A_396 : i32 to vector<512x128xi32>
    %select_n3A_398 = arith.select %lt3A_394, %broadcast_in_dim3A_397, %select_n3A_387 : vector<512x128xi1>, vector<512x128xi32>
    %slice3A_399 = vector.extract_strided_slice %dot_general3A_11 {offsets = [0, 4480], sizes = [512, 128], strides = [1, 1]} : vector<512x8192xf32> to vector<512x128xf32>
    %sub3A_400 = vector.broadcast %get3A_7 : vector<512x1xf32> to vector<512x128xf32>
    %sub3A_401 = arith.subf %sub3A_400, %slice3A_399 : vector<512x128xf32>
    %slice3A_402 = vector.extract_strided_slice %get3A_10 {offsets = [0, 4480], sizes = [1, 128], strides = [1, 1]} : vector<1x8192xf32> to vector<1x128xf32>
    %add3A_403 = vector.broadcast %slice3A_402 : vector<1x128xf32> to vector<512x128xf32>
    %add3A_404 = arith.addf %sub3A_401, %add3A_403 : vector<512x128xf32>
    %lt3A_405 = arith.cmpf olt, %add3A_404, %select_n3A_395 : vector<512x128xf32>
    %select_n3A_406 = arith.select %lt3A_405, %add3A_404, %select_n3A_395 : vector<512x128xi1>, vector<512x128xf32>
    %jit3A_407 = arith.constant 3 : i32
    %broadcast_in_dim3A_408 = vector.broadcast %jit3A_407 : i32 to vector<512x128xi32>
    %select_n3A_409 = arith.select %lt3A_405, %broadcast_in_dim3A_408, %select_n3A_398 : vector<512x128xi1>, vector<512x128xi32>
    %slice3A_410 = vector.extract_strided_slice %dot_general3A_11 {offsets = [0, 4608], sizes = [512, 128], strides = [1, 1]} : vector<512x8192xf32> to vector<512x128xf32>
    %sub3A_411 = vector.broadcast %get3A_7 : vector<512x1xf32> to vector<512x128xf32>
    %sub3A_412 = arith.subf %sub3A_411, %slice3A_410 : vector<512x128xf32>
    %slice3A_413 = vector.extract_strided_slice %get3A_10 {offsets = [0, 4608], sizes = [1, 128], strides = [1, 1]} : vector<1x8192xf32> to vector<1x128xf32>
    %add3A_414 = vector.broadcast %slice3A_413 : vector<1x128xf32> to vector<512x128xf32>
    %add3A_415 = arith.addf %sub3A_412, %add3A_414 : vector<512x128xf32>
    %lt3A_416 = arith.cmpf olt, %add3A_415, %select_n3A_406 : vector<512x128xf32>
    %select_n3A_417 = arith.select %lt3A_416, %add3A_415, %select_n3A_406 : vector<512x128xi1>, vector<512x128xf32>
    %jit3A_418 = arith.constant 4 : i32
    %broadcast_in_dim3A_419 = vector.broadcast %jit3A_418 : i32 to vector<512x128xi32>
    %select_n3A_420 = arith.select %lt3A_416, %broadcast_in_dim3A_419, %select_n3A_409 : vector<512x128xi1>, vector<512x128xi32>
    %slice3A_421 = vector.extract_strided_slice %dot_general3A_11 {offsets = [0, 4736], sizes = [512, 128], strides = [1, 1]} : vector<512x8192xf32> to vector<512x128xf32>
    %sub3A_422 = vector.broadcast %get3A_7 : vector<512x1xf32> to vector<512x128xf32>
    %sub3A_423 = arith.subf %sub3A_422, %slice3A_421 : vector<512x128xf32>
    %slice3A_424 = vector.extract_strided_slice %get3A_10 {offsets = [0, 4736], sizes = [1, 128], strides = [1, 1]} : vector<1x8192xf32> to vector<1x128xf32>
    %add3A_425 = vector.broadcast %slice3A_424 : vector<1x128xf32> to vector<512x128xf32>
    %add3A_426 = arith.addf %sub3A_423, %add3A_425 : vector<512x128xf32>
    %lt3A_427 = arith.cmpf olt, %add3A_426, %select_n3A_417 : vector<512x128xf32>
    %select_n3A_428 = arith.select %lt3A_427, %add3A_426, %select_n3A_417 : vector<512x128xi1>, vector<512x128xf32>
    %jit3A_429 = arith.constant 5 : i32
    %broadcast_in_dim3A_430 = vector.broadcast %jit3A_429 : i32 to vector<512x128xi32>
    %select_n3A_431 = arith.select %lt3A_427, %broadcast_in_dim3A_430, %select_n3A_420 : vector<512x128xi1>, vector<512x128xi32>
    %slice3A_432 = vector.extract_strided_slice %dot_general3A_11 {offsets = [0, 4864], sizes = [512, 128], strides = [1, 1]} : vector<512x8192xf32> to vector<512x128xf32>
    %sub3A_433 = vector.broadcast %get3A_7 : vector<512x1xf32> to vector<512x128xf32>
    %sub3A_434 = arith.subf %sub3A_433, %slice3A_432 : vector<512x128xf32>
    %slice3A_435 = vector.extract_strided_slice %get3A_10 {offsets = [0, 4864], sizes = [1, 128], strides = [1, 1]} : vector<1x8192xf32> to vector<1x128xf32>
    %add3A_436 = vector.broadcast %slice3A_435 : vector<1x128xf32> to vector<512x128xf32>
    %add3A_437 = arith.addf %sub3A_434, %add3A_436 : vector<512x128xf32>
    %lt3A_438 = arith.cmpf olt, %add3A_437, %select_n3A_428 : vector<512x128xf32>
    %select_n3A_439 = arith.select %lt3A_438, %add3A_437, %select_n3A_428 : vector<512x128xi1>, vector<512x128xf32>
    %jit3A_440 = arith.constant 6 : i32
    %broadcast_in_dim3A_441 = vector.broadcast %jit3A_440 : i32 to vector<512x128xi32>
    %select_n3A_442 = arith.select %lt3A_438, %broadcast_in_dim3A_441, %select_n3A_431 : vector<512x128xi1>, vector<512x128xi32>
    %slice3A_443 = vector.extract_strided_slice %dot_general3A_11 {offsets = [0, 4992], sizes = [512, 128], strides = [1, 1]} : vector<512x8192xf32> to vector<512x128xf32>
    %sub3A_444 = vector.broadcast %get3A_7 : vector<512x1xf32> to vector<512x128xf32>
    %sub3A_445 = arith.subf %sub3A_444, %slice3A_443 : vector<512x128xf32>
    %slice3A_446 = vector.extract_strided_slice %get3A_10 {offsets = [0, 4992], sizes = [1, 128], strides = [1, 1]} : vector<1x8192xf32> to vector<1x128xf32>
    %add3A_447 = vector.broadcast %slice3A_446 : vector<1x128xf32> to vector<512x128xf32>
    %add3A_448 = arith.addf %sub3A_445, %add3A_447 : vector<512x128xf32>
    %lt3A_449 = arith.cmpf olt, %add3A_448, %select_n3A_439 : vector<512x128xf32>
    %select_n3A_450 = arith.select %lt3A_449, %add3A_448, %select_n3A_439 : vector<512x128xi1>, vector<512x128xf32>
    %jit3A_451 = arith.constant 7 : i32
    %broadcast_in_dim3A_452 = vector.broadcast %jit3A_451 : i32 to vector<512x128xi32>
    %select_n3A_453 = arith.select %lt3A_449, %broadcast_in_dim3A_452, %select_n3A_442 : vector<512x128xi1>, vector<512x128xi32>
    %slice3A_454 = vector.extract_strided_slice %dot_general3A_11 {offsets = [0, 5120], sizes = [512, 128], strides = [1, 1]} : vector<512x8192xf32> to vector<512x128xf32>
    %sub3A_455 = vector.broadcast %get3A_7 : vector<512x1xf32> to vector<512x128xf32>
    %sub3A_456 = arith.subf %sub3A_455, %slice3A_454 : vector<512x128xf32>
    %slice3A_457 = vector.extract_strided_slice %get3A_10 {offsets = [0, 5120], sizes = [1, 128], strides = [1, 1]} : vector<1x8192xf32> to vector<1x128xf32>
    %add3A_458 = vector.broadcast %slice3A_457 : vector<1x128xf32> to vector<512x128xf32>
    %add3A_459 = arith.addf %sub3A_456, %add3A_458 : vector<512x128xf32>
    %lt3A_460 = arith.cmpf olt, %add3A_459, %select_n3A_450 : vector<512x128xf32>
    %select_n3A_461 = arith.select %lt3A_460, %add3A_459, %select_n3A_450 : vector<512x128xi1>, vector<512x128xf32>
    %jit3A_462 = arith.constant 8 : i32
    %broadcast_in_dim3A_463 = vector.broadcast %jit3A_462 : i32 to vector<512x128xi32>
    %select_n3A_464 = arith.select %lt3A_460, %broadcast_in_dim3A_463, %select_n3A_453 : vector<512x128xi1>, vector<512x128xi32>
    %slice3A_465 = vector.extract_strided_slice %dot_general3A_11 {offsets = [0, 5248], sizes = [512, 128], strides = [1, 1]} : vector<512x8192xf32> to vector<512x128xf32>
    %sub3A_466 = vector.broadcast %get3A_7 : vector<512x1xf32> to vector<512x128xf32>
    %sub3A_467 = arith.subf %sub3A_466, %slice3A_465 : vector<512x128xf32>
    %slice3A_468 = vector.extract_strided_slice %get3A_10 {offsets = [0, 5248], sizes = [1, 128], strides = [1, 1]} : vector<1x8192xf32> to vector<1x128xf32>
    %add3A_469 = vector.broadcast %slice3A_468 : vector<1x128xf32> to vector<512x128xf32>
    %add3A_470 = arith.addf %sub3A_467, %add3A_469 : vector<512x128xf32>
    %lt3A_471 = arith.cmpf olt, %add3A_470, %select_n3A_461 : vector<512x128xf32>
    %select_n3A_472 = arith.select %lt3A_471, %add3A_470, %select_n3A_461 : vector<512x128xi1>, vector<512x128xf32>
    %jit3A_473 = arith.constant 9 : i32
    %broadcast_in_dim3A_474 = vector.broadcast %jit3A_473 : i32 to vector<512x128xi32>
    %select_n3A_475 = arith.select %lt3A_471, %broadcast_in_dim3A_474, %select_n3A_464 : vector<512x128xi1>, vector<512x128xi32>
    %slice3A_476 = vector.extract_strided_slice %dot_general3A_11 {offsets = [0, 5376], sizes = [512, 128], strides = [1, 1]} : vector<512x8192xf32> to vector<512x128xf32>
    %sub3A_477 = vector.broadcast %get3A_7 : vector<512x1xf32> to vector<512x128xf32>
    %sub3A_478 = arith.subf %sub3A_477, %slice3A_476 : vector<512x128xf32>
    %slice3A_479 = vector.extract_strided_slice %get3A_10 {offsets = [0, 5376], sizes = [1, 128], strides = [1, 1]} : vector<1x8192xf32> to vector<1x128xf32>
    %add3A_480 = vector.broadcast %slice3A_479 : vector<1x128xf32> to vector<512x128xf32>
    %add3A_481 = arith.addf %sub3A_478, %add3A_480 : vector<512x128xf32>
    %lt3A_482 = arith.cmpf olt, %add3A_481, %select_n3A_472 : vector<512x128xf32>
    %select_n3A_483 = arith.select %lt3A_482, %add3A_481, %select_n3A_472 : vector<512x128xi1>, vector<512x128xf32>
    %jit3A_484 = arith.constant 10 : i32
    %broadcast_in_dim3A_485 = vector.broadcast %jit3A_484 : i32 to vector<512x128xi32>
    %select_n3A_486 = arith.select %lt3A_482, %broadcast_in_dim3A_485, %select_n3A_475 : vector<512x128xi1>, vector<512x128xi32>
    %slice3A_487 = vector.extract_strided_slice %dot_general3A_11 {offsets = [0, 5504], sizes = [512, 128], strides = [1, 1]} : vector<512x8192xf32> to vector<512x128xf32>
    %sub3A_488 = vector.broadcast %get3A_7 : vector<512x1xf32> to vector<512x128xf32>
    %sub3A_489 = arith.subf %sub3A_488, %slice3A_487 : vector<512x128xf32>
    %slice3A_490 = vector.extract_strided_slice %get3A_10 {offsets = [0, 5504], sizes = [1, 128], strides = [1, 1]} : vector<1x8192xf32> to vector<1x128xf32>
    %add3A_491 = vector.broadcast %slice3A_490 : vector<1x128xf32> to vector<512x128xf32>
    %add3A_492 = arith.addf %sub3A_489, %add3A_491 : vector<512x128xf32>
    %lt3A_493 = arith.cmpf olt, %add3A_492, %select_n3A_483 : vector<512x128xf32>
    %select_n3A_494 = arith.select %lt3A_493, %add3A_492, %select_n3A_483 : vector<512x128xi1>, vector<512x128xf32>
    %jit3A_495 = arith.constant 11 : i32
    %broadcast_in_dim3A_496 = vector.broadcast %jit3A_495 : i32 to vector<512x128xi32>
    %select_n3A_497 = arith.select %lt3A_493, %broadcast_in_dim3A_496, %select_n3A_486 : vector<512x128xi1>, vector<512x128xi32>
    %slice3A_498 = vector.extract_strided_slice %dot_general3A_11 {offsets = [0, 5632], sizes = [512, 128], strides = [1, 1]} : vector<512x8192xf32> to vector<512x128xf32>
    %sub3A_499 = vector.broadcast %get3A_7 : vector<512x1xf32> to vector<512x128xf32>
    %sub3A_500 = arith.subf %sub3A_499, %slice3A_498 : vector<512x128xf32>
    %slice3A_501 = vector.extract_strided_slice %get3A_10 {offsets = [0, 5632], sizes = [1, 128], strides = [1, 1]} : vector<1x8192xf32> to vector<1x128xf32>
    %add3A_502 = vector.broadcast %slice3A_501 : vector<1x128xf32> to vector<512x128xf32>
    %add3A_503 = arith.addf %sub3A_500, %add3A_502 : vector<512x128xf32>
    %lt3A_504 = arith.cmpf olt, %add3A_503, %select_n3A_494 : vector<512x128xf32>
    %select_n3A_505 = arith.select %lt3A_504, %add3A_503, %select_n3A_494 : vector<512x128xi1>, vector<512x128xf32>
    %jit3A_506 = arith.constant 12 : i32
    %broadcast_in_dim3A_507 = vector.broadcast %jit3A_506 : i32 to vector<512x128xi32>
    %select_n3A_508 = arith.select %lt3A_504, %broadcast_in_dim3A_507, %select_n3A_497 : vector<512x128xi1>, vector<512x128xi32>
    %slice3A_509 = vector.extract_strided_slice %dot_general3A_11 {offsets = [0, 5760], sizes = [512, 128], strides = [1, 1]} : vector<512x8192xf32> to vector<512x128xf32>
    %sub3A_510 = vector.broadcast %get3A_7 : vector<512x1xf32> to vector<512x128xf32>
    %sub3A_511 = arith.subf %sub3A_510, %slice3A_509 : vector<512x128xf32>
    %slice3A_512 = vector.extract_strided_slice %get3A_10 {offsets = [0, 5760], sizes = [1, 128], strides = [1, 1]} : vector<1x8192xf32> to vector<1x128xf32>
    %add3A_513 = vector.broadcast %slice3A_512 : vector<1x128xf32> to vector<512x128xf32>
    %add3A_514 = arith.addf %sub3A_511, %add3A_513 : vector<512x128xf32>
    %lt3A_515 = arith.cmpf olt, %add3A_514, %select_n3A_505 : vector<512x128xf32>
    %select_n3A_516 = arith.select %lt3A_515, %add3A_514, %select_n3A_505 : vector<512x128xi1>, vector<512x128xf32>
    %jit3A_517 = arith.constant 13 : i32
    %broadcast_in_dim3A_518 = vector.broadcast %jit3A_517 : i32 to vector<512x128xi32>
    %select_n3A_519 = arith.select %lt3A_515, %broadcast_in_dim3A_518, %select_n3A_508 : vector<512x128xi1>, vector<512x128xi32>
    %slice3A_520 = vector.extract_strided_slice %dot_general3A_11 {offsets = [0, 5888], sizes = [512, 128], strides = [1, 1]} : vector<512x8192xf32> to vector<512x128xf32>
    %sub3A_521 = vector.broadcast %get3A_7 : vector<512x1xf32> to vector<512x128xf32>
    %sub3A_522 = arith.subf %sub3A_521, %slice3A_520 : vector<512x128xf32>
    %slice3A_523 = vector.extract_strided_slice %get3A_10 {offsets = [0, 5888], sizes = [1, 128], strides = [1, 1]} : vector<1x8192xf32> to vector<1x128xf32>
    %add3A_524 = vector.broadcast %slice3A_523 : vector<1x128xf32> to vector<512x128xf32>
    %add3A_525 = arith.addf %sub3A_522, %add3A_524 : vector<512x128xf32>
    %lt3A_526 = arith.cmpf olt, %add3A_525, %select_n3A_516 : vector<512x128xf32>
    %select_n3A_527 = arith.select %lt3A_526, %add3A_525, %select_n3A_516 : vector<512x128xi1>, vector<512x128xf32>
    %jit3A_528 = arith.constant 14 : i32
    %broadcast_in_dim3A_529 = vector.broadcast %jit3A_528 : i32 to vector<512x128xi32>
    %select_n3A_530 = arith.select %lt3A_526, %broadcast_in_dim3A_529, %select_n3A_519 : vector<512x128xi1>, vector<512x128xi32>
    %slice3A_531 = vector.extract_strided_slice %dot_general3A_11 {offsets = [0, 6016], sizes = [512, 128], strides = [1, 1]} : vector<512x8192xf32> to vector<512x128xf32>
    %sub3A_532 = vector.broadcast %get3A_7 : vector<512x1xf32> to vector<512x128xf32>
    %sub3A_533 = arith.subf %sub3A_532, %slice3A_531 : vector<512x128xf32>
    %slice3A_534 = vector.extract_strided_slice %get3A_10 {offsets = [0, 6016], sizes = [1, 128], strides = [1, 1]} : vector<1x8192xf32> to vector<1x128xf32>
    %add3A_535 = vector.broadcast %slice3A_534 : vector<1x128xf32> to vector<512x128xf32>
    %add3A_536 = arith.addf %sub3A_533, %add3A_535 : vector<512x128xf32>
    %lt3A_537 = arith.cmpf olt, %add3A_536, %select_n3A_527 : vector<512x128xf32>
    %select_n3A_538 = arith.select %lt3A_537, %add3A_536, %select_n3A_527 : vector<512x128xi1>, vector<512x128xf32>
    %jit3A_539 = arith.constant 15 : i32
    %broadcast_in_dim3A_540 = vector.broadcast %jit3A_539 : i32 to vector<512x128xi32>
    %select_n3A_541 = arith.select %lt3A_537, %broadcast_in_dim3A_540, %select_n3A_530 : vector<512x128xi1>, vector<512x128xi32>
    %slice3A_542 = vector.extract_strided_slice %dot_general3A_11 {offsets = [0, 6144], sizes = [512, 128], strides = [1, 1]} : vector<512x8192xf32> to vector<512x128xf32>
    %sub3A_543 = vector.broadcast %get3A_7 : vector<512x1xf32> to vector<512x128xf32>
    %sub3A_544 = arith.subf %sub3A_543, %slice3A_542 : vector<512x128xf32>
    %slice3A_545 = vector.extract_strided_slice %get3A_10 {offsets = [0, 6144], sizes = [1, 128], strides = [1, 1]} : vector<1x8192xf32> to vector<1x128xf32>
    %add3A_546 = vector.broadcast %slice3A_545 : vector<1x128xf32> to vector<512x128xf32>
    %add3A_547 = arith.addf %sub3A_544, %add3A_546 : vector<512x128xf32>
    %lt3A_548 = arith.cmpf olt, %add3A_547, %select_n3A_538 : vector<512x128xf32>
    %select_n3A_549 = arith.select %lt3A_548, %add3A_547, %select_n3A_538 : vector<512x128xi1>, vector<512x128xf32>
    %jit3A_550 = arith.constant 16 : i32
    %broadcast_in_dim3A_551 = vector.broadcast %jit3A_550 : i32 to vector<512x128xi32>
    %select_n3A_552 = arith.select %lt3A_548, %broadcast_in_dim3A_551, %select_n3A_541 : vector<512x128xi1>, vector<512x128xi32>
    %slice3A_553 = vector.extract_strided_slice %dot_general3A_11 {offsets = [0, 6272], sizes = [512, 128], strides = [1, 1]} : vector<512x8192xf32> to vector<512x128xf32>
    %sub3A_554 = vector.broadcast %get3A_7 : vector<512x1xf32> to vector<512x128xf32>
    %sub3A_555 = arith.subf %sub3A_554, %slice3A_553 : vector<512x128xf32>
    %slice3A_556 = vector.extract_strided_slice %get3A_10 {offsets = [0, 6272], sizes = [1, 128], strides = [1, 1]} : vector<1x8192xf32> to vector<1x128xf32>
    %add3A_557 = vector.broadcast %slice3A_556 : vector<1x128xf32> to vector<512x128xf32>
    %add3A_558 = arith.addf %sub3A_555, %add3A_557 : vector<512x128xf32>
    %lt3A_559 = arith.cmpf olt, %add3A_558, %select_n3A_549 : vector<512x128xf32>
    %select_n3A_560 = arith.select %lt3A_559, %add3A_558, %select_n3A_549 : vector<512x128xi1>, vector<512x128xf32>
    %jit3A_561 = arith.constant 17 : i32
    %broadcast_in_dim3A_562 = vector.broadcast %jit3A_561 : i32 to vector<512x128xi32>
    %select_n3A_563 = arith.select %lt3A_559, %broadcast_in_dim3A_562, %select_n3A_552 : vector<512x128xi1>, vector<512x128xi32>
    %slice3A_564 = vector.extract_strided_slice %dot_general3A_11 {offsets = [0, 6400], sizes = [512, 128], strides = [1, 1]} : vector<512x8192xf32> to vector<512x128xf32>
    %sub3A_565 = vector.broadcast %get3A_7 : vector<512x1xf32> to vector<512x128xf32>
    %sub3A_566 = arith.subf %sub3A_565, %slice3A_564 : vector<512x128xf32>
    %slice3A_567 = vector.extract_strided_slice %get3A_10 {offsets = [0, 6400], sizes = [1, 128], strides = [1, 1]} : vector<1x8192xf32> to vector<1x128xf32>
    %add3A_568 = vector.broadcast %slice3A_567 : vector<1x128xf32> to vector<512x128xf32>
    %add3A_569 = arith.addf %sub3A_566, %add3A_568 : vector<512x128xf32>
    %lt3A_570 = arith.cmpf olt, %add3A_569, %select_n3A_560 : vector<512x128xf32>
    %select_n3A_571 = arith.select %lt3A_570, %add3A_569, %select_n3A_560 : vector<512x128xi1>, vector<512x128xf32>
    %jit3A_572 = arith.constant 18 : i32
    %broadcast_in_dim3A_573 = vector.broadcast %jit3A_572 : i32 to vector<512x128xi32>
    %select_n3A_574 = arith.select %lt3A_570, %broadcast_in_dim3A_573, %select_n3A_563 : vector<512x128xi1>, vector<512x128xi32>
    %slice3A_575 = vector.extract_strided_slice %dot_general3A_11 {offsets = [0, 6528], sizes = [512, 128], strides = [1, 1]} : vector<512x8192xf32> to vector<512x128xf32>
    %sub3A_576 = vector.broadcast %get3A_7 : vector<512x1xf32> to vector<512x128xf32>
    %sub3A_577 = arith.subf %sub3A_576, %slice3A_575 : vector<512x128xf32>
    %slice3A_578 = vector.extract_strided_slice %get3A_10 {offsets = [0, 6528], sizes = [1, 128], strides = [1, 1]} : vector<1x8192xf32> to vector<1x128xf32>
    %add3A_579 = vector.broadcast %slice3A_578 : vector<1x128xf32> to vector<512x128xf32>
    %add3A_580 = arith.addf %sub3A_577, %add3A_579 : vector<512x128xf32>
    %lt3A_581 = arith.cmpf olt, %add3A_580, %select_n3A_571 : vector<512x128xf32>
    %select_n3A_582 = arith.select %lt3A_581, %add3A_580, %select_n3A_571 : vector<512x128xi1>, vector<512x128xf32>
    %jit3A_583 = arith.constant 19 : i32
    %broadcast_in_dim3A_584 = vector.broadcast %jit3A_583 : i32 to vector<512x128xi32>
    %select_n3A_585 = arith.select %lt3A_581, %broadcast_in_dim3A_584, %select_n3A_574 : vector<512x128xi1>, vector<512x128xi32>
    %slice3A_586 = vector.extract_strided_slice %dot_general3A_11 {offsets = [0, 6656], sizes = [512, 128], strides = [1, 1]} : vector<512x8192xf32> to vector<512x128xf32>
    %sub3A_587 = vector.broadcast %get3A_7 : vector<512x1xf32> to vector<512x128xf32>
    %sub3A_588 = arith.subf %sub3A_587, %slice3A_586 : vector<512x128xf32>
    %slice3A_589 = vector.extract_strided_slice %get3A_10 {offsets = [0, 6656], sizes = [1, 128], strides = [1, 1]} : vector<1x8192xf32> to vector<1x128xf32>
    %add3A_590 = vector.broadcast %slice3A_589 : vector<1x128xf32> to vector<512x128xf32>
    %add3A_591 = arith.addf %sub3A_588, %add3A_590 : vector<512x128xf32>
    %lt3A_592 = arith.cmpf olt, %add3A_591, %select_n3A_582 : vector<512x128xf32>
    %select_n3A_593 = arith.select %lt3A_592, %add3A_591, %select_n3A_582 : vector<512x128xi1>, vector<512x128xf32>
    %jit3A_594 = arith.constant 20 : i32
    %broadcast_in_dim3A_595 = vector.broadcast %jit3A_594 : i32 to vector<512x128xi32>
    %select_n3A_596 = arith.select %lt3A_592, %broadcast_in_dim3A_595, %select_n3A_585 : vector<512x128xi1>, vector<512x128xi32>
    %slice3A_597 = vector.extract_strided_slice %dot_general3A_11 {offsets = [0, 6784], sizes = [512, 128], strides = [1, 1]} : vector<512x8192xf32> to vector<512x128xf32>
    %sub3A_598 = vector.broadcast %get3A_7 : vector<512x1xf32> to vector<512x128xf32>
    %sub3A_599 = arith.subf %sub3A_598, %slice3A_597 : vector<512x128xf32>
    %slice3A_600 = vector.extract_strided_slice %get3A_10 {offsets = [0, 6784], sizes = [1, 128], strides = [1, 1]} : vector<1x8192xf32> to vector<1x128xf32>
    %add3A_601 = vector.broadcast %slice3A_600 : vector<1x128xf32> to vector<512x128xf32>
    %add3A_602 = arith.addf %sub3A_599, %add3A_601 : vector<512x128xf32>
    %lt3A_603 = arith.cmpf olt, %add3A_602, %select_n3A_593 : vector<512x128xf32>
    %select_n3A_604 = arith.select %lt3A_603, %add3A_602, %select_n3A_593 : vector<512x128xi1>, vector<512x128xf32>
    %jit3A_605 = arith.constant 21 : i32
    %broadcast_in_dim3A_606 = vector.broadcast %jit3A_605 : i32 to vector<512x128xi32>
    %select_n3A_607 = arith.select %lt3A_603, %broadcast_in_dim3A_606, %select_n3A_596 : vector<512x128xi1>, vector<512x128xi32>
    %slice3A_608 = vector.extract_strided_slice %dot_general3A_11 {offsets = [0, 6912], sizes = [512, 128], strides = [1, 1]} : vector<512x8192xf32> to vector<512x128xf32>
    %sub3A_609 = vector.broadcast %get3A_7 : vector<512x1xf32> to vector<512x128xf32>
    %sub3A_610 = arith.subf %sub3A_609, %slice3A_608 : vector<512x128xf32>
    %slice3A_611 = vector.extract_strided_slice %get3A_10 {offsets = [0, 6912], sizes = [1, 128], strides = [1, 1]} : vector<1x8192xf32> to vector<1x128xf32>
    %add3A_612 = vector.broadcast %slice3A_611 : vector<1x128xf32> to vector<512x128xf32>
    %add3A_613 = arith.addf %sub3A_610, %add3A_612 : vector<512x128xf32>
    %lt3A_614 = arith.cmpf olt, %add3A_613, %select_n3A_604 : vector<512x128xf32>
    %select_n3A_615 = arith.select %lt3A_614, %add3A_613, %select_n3A_604 : vector<512x128xi1>, vector<512x128xf32>
    %jit3A_616 = arith.constant 22 : i32
    %broadcast_in_dim3A_617 = vector.broadcast %jit3A_616 : i32 to vector<512x128xi32>
    %select_n3A_618 = arith.select %lt3A_614, %broadcast_in_dim3A_617, %select_n3A_607 : vector<512x128xi1>, vector<512x128xi32>
    %slice3A_619 = vector.extract_strided_slice %dot_general3A_11 {offsets = [0, 7040], sizes = [512, 128], strides = [1, 1]} : vector<512x8192xf32> to vector<512x128xf32>
    %sub3A_620 = vector.broadcast %get3A_7 : vector<512x1xf32> to vector<512x128xf32>
    %sub3A_621 = arith.subf %sub3A_620, %slice3A_619 : vector<512x128xf32>
    %slice3A_622 = vector.extract_strided_slice %get3A_10 {offsets = [0, 7040], sizes = [1, 128], strides = [1, 1]} : vector<1x8192xf32> to vector<1x128xf32>
    %add3A_623 = vector.broadcast %slice3A_622 : vector<1x128xf32> to vector<512x128xf32>
    %add3A_624 = arith.addf %sub3A_621, %add3A_623 : vector<512x128xf32>
    %lt3A_625 = arith.cmpf olt, %add3A_624, %select_n3A_615 : vector<512x128xf32>
    %select_n3A_626 = arith.select %lt3A_625, %add3A_624, %select_n3A_615 : vector<512x128xi1>, vector<512x128xf32>
    %jit3A_627 = arith.constant 23 : i32
    %broadcast_in_dim3A_628 = vector.broadcast %jit3A_627 : i32 to vector<512x128xi32>
    %select_n3A_629 = arith.select %lt3A_625, %broadcast_in_dim3A_628, %select_n3A_618 : vector<512x128xi1>, vector<512x128xi32>
    %slice3A_630 = vector.extract_strided_slice %dot_general3A_11 {offsets = [0, 7168], sizes = [512, 128], strides = [1, 1]} : vector<512x8192xf32> to vector<512x128xf32>
    %sub3A_631 = vector.broadcast %get3A_7 : vector<512x1xf32> to vector<512x128xf32>
    %sub3A_632 = arith.subf %sub3A_631, %slice3A_630 : vector<512x128xf32>
    %slice3A_633 = vector.extract_strided_slice %get3A_10 {offsets = [0, 7168], sizes = [1, 128], strides = [1, 1]} : vector<1x8192xf32> to vector<1x128xf32>
    %add3A_634 = vector.broadcast %slice3A_633 : vector<1x128xf32> to vector<512x128xf32>
    %add3A_635 = arith.addf %sub3A_632, %add3A_634 : vector<512x128xf32>
    %lt3A_636 = arith.cmpf olt, %add3A_635, %select_n3A_626 : vector<512x128xf32>
    %select_n3A_637 = arith.select %lt3A_636, %add3A_635, %select_n3A_626 : vector<512x128xi1>, vector<512x128xf32>
    %jit3A_638 = arith.constant 24 : i32
    %broadcast_in_dim3A_639 = vector.broadcast %jit3A_638 : i32 to vector<512x128xi32>
    %select_n3A_640 = arith.select %lt3A_636, %broadcast_in_dim3A_639, %select_n3A_629 : vector<512x128xi1>, vector<512x128xi32>
    %slice3A_641 = vector.extract_strided_slice %dot_general3A_11 {offsets = [0, 7296], sizes = [512, 128], strides = [1, 1]} : vector<512x8192xf32> to vector<512x128xf32>
    %sub3A_642 = vector.broadcast %get3A_7 : vector<512x1xf32> to vector<512x128xf32>
    %sub3A_643 = arith.subf %sub3A_642, %slice3A_641 : vector<512x128xf32>
    %slice3A_644 = vector.extract_strided_slice %get3A_10 {offsets = [0, 7296], sizes = [1, 128], strides = [1, 1]} : vector<1x8192xf32> to vector<1x128xf32>
    %add3A_645 = vector.broadcast %slice3A_644 : vector<1x128xf32> to vector<512x128xf32>
    %add3A_646 = arith.addf %sub3A_643, %add3A_645 : vector<512x128xf32>
    %lt3A_647 = arith.cmpf olt, %add3A_646, %select_n3A_637 : vector<512x128xf32>
    %select_n3A_648 = arith.select %lt3A_647, %add3A_646, %select_n3A_637 : vector<512x128xi1>, vector<512x128xf32>
    %jit3A_649 = arith.constant 25 : i32
    %broadcast_in_dim3A_650 = vector.broadcast %jit3A_649 : i32 to vector<512x128xi32>
    %select_n3A_651 = arith.select %lt3A_647, %broadcast_in_dim3A_650, %select_n3A_640 : vector<512x128xi1>, vector<512x128xi32>
    %slice3A_652 = vector.extract_strided_slice %dot_general3A_11 {offsets = [0, 7424], sizes = [512, 128], strides = [1, 1]} : vector<512x8192xf32> to vector<512x128xf32>
    %sub3A_653 = vector.broadcast %get3A_7 : vector<512x1xf32> to vector<512x128xf32>
    %sub3A_654 = arith.subf %sub3A_653, %slice3A_652 : vector<512x128xf32>
    %slice3A_655 = vector.extract_strided_slice %get3A_10 {offsets = [0, 7424], sizes = [1, 128], strides = [1, 1]} : vector<1x8192xf32> to vector<1x128xf32>
    %add3A_656 = vector.broadcast %slice3A_655 : vector<1x128xf32> to vector<512x128xf32>
    %add3A_657 = arith.addf %sub3A_654, %add3A_656 : vector<512x128xf32>
    %lt3A_658 = arith.cmpf olt, %add3A_657, %select_n3A_648 : vector<512x128xf32>
    %select_n3A_659 = arith.select %lt3A_658, %add3A_657, %select_n3A_648 : vector<512x128xi1>, vector<512x128xf32>
    %jit3A_660 = arith.constant 26 : i32
    %broadcast_in_dim3A_661 = vector.broadcast %jit3A_660 : i32 to vector<512x128xi32>
    %select_n3A_662 = arith.select %lt3A_658, %broadcast_in_dim3A_661, %select_n3A_651 : vector<512x128xi1>, vector<512x128xi32>
    %slice3A_663 = vector.extract_strided_slice %dot_general3A_11 {offsets = [0, 7552], sizes = [512, 128], strides = [1, 1]} : vector<512x8192xf32> to vector<512x128xf32>
    %sub3A_664 = vector.broadcast %get3A_7 : vector<512x1xf32> to vector<512x128xf32>
    %sub3A_665 = arith.subf %sub3A_664, %slice3A_663 : vector<512x128xf32>
    %slice3A_666 = vector.extract_strided_slice %get3A_10 {offsets = [0, 7552], sizes = [1, 128], strides = [1, 1]} : vector<1x8192xf32> to vector<1x128xf32>
    %add3A_667 = vector.broadcast %slice3A_666 : vector<1x128xf32> to vector<512x128xf32>
    %add3A_668 = arith.addf %sub3A_665, %add3A_667 : vector<512x128xf32>
    %lt3A_669 = arith.cmpf olt, %add3A_668, %select_n3A_659 : vector<512x128xf32>
    %select_n3A_670 = arith.select %lt3A_669, %add3A_668, %select_n3A_659 : vector<512x128xi1>, vector<512x128xf32>
    %jit3A_671 = arith.constant 27 : i32
    %broadcast_in_dim3A_672 = vector.broadcast %jit3A_671 : i32 to vector<512x128xi32>
    %select_n3A_673 = arith.select %lt3A_669, %broadcast_in_dim3A_672, %select_n3A_662 : vector<512x128xi1>, vector<512x128xi32>
    %slice3A_674 = vector.extract_strided_slice %dot_general3A_11 {offsets = [0, 7680], sizes = [512, 128], strides = [1, 1]} : vector<512x8192xf32> to vector<512x128xf32>
    %sub3A_675 = vector.broadcast %get3A_7 : vector<512x1xf32> to vector<512x128xf32>
    %sub3A_676 = arith.subf %sub3A_675, %slice3A_674 : vector<512x128xf32>
    %slice3A_677 = vector.extract_strided_slice %get3A_10 {offsets = [0, 7680], sizes = [1, 128], strides = [1, 1]} : vector<1x8192xf32> to vector<1x128xf32>
    %add3A_678 = vector.broadcast %slice3A_677 : vector<1x128xf32> to vector<512x128xf32>
    %add3A_679 = arith.addf %sub3A_676, %add3A_678 : vector<512x128xf32>
    %lt3A_680 = arith.cmpf olt, %add3A_679, %select_n3A_670 : vector<512x128xf32>
    %select_n3A_681 = arith.select %lt3A_680, %add3A_679, %select_n3A_670 : vector<512x128xi1>, vector<512x128xf32>
    %jit3A_682 = arith.constant 28 : i32
    %broadcast_in_dim3A_683 = vector.broadcast %jit3A_682 : i32 to vector<512x128xi32>
    %select_n3A_684 = arith.select %lt3A_680, %broadcast_in_dim3A_683, %select_n3A_673 : vector<512x128xi1>, vector<512x128xi32>
    %slice3A_685 = vector.extract_strided_slice %dot_general3A_11 {offsets = [0, 7808], sizes = [512, 128], strides = [1, 1]} : vector<512x8192xf32> to vector<512x128xf32>
    %sub3A_686 = vector.broadcast %get3A_7 : vector<512x1xf32> to vector<512x128xf32>
    %sub3A_687 = arith.subf %sub3A_686, %slice3A_685 : vector<512x128xf32>
    %slice3A_688 = vector.extract_strided_slice %get3A_10 {offsets = [0, 7808], sizes = [1, 128], strides = [1, 1]} : vector<1x8192xf32> to vector<1x128xf32>
    %add3A_689 = vector.broadcast %slice3A_688 : vector<1x128xf32> to vector<512x128xf32>
    %add3A_690 = arith.addf %sub3A_687, %add3A_689 : vector<512x128xf32>
    %lt3A_691 = arith.cmpf olt, %add3A_690, %select_n3A_681 : vector<512x128xf32>
    %select_n3A_692 = arith.select %lt3A_691, %add3A_690, %select_n3A_681 : vector<512x128xi1>, vector<512x128xf32>
    %jit3A_693 = arith.constant 29 : i32
    %broadcast_in_dim3A_694 = vector.broadcast %jit3A_693 : i32 to vector<512x128xi32>
    %select_n3A_695 = arith.select %lt3A_691, %broadcast_in_dim3A_694, %select_n3A_684 : vector<512x128xi1>, vector<512x128xi32>
    %slice3A_696 = vector.extract_strided_slice %dot_general3A_11 {offsets = [0, 7936], sizes = [512, 128], strides = [1, 1]} : vector<512x8192xf32> to vector<512x128xf32>
    %sub3A_697 = vector.broadcast %get3A_7 : vector<512x1xf32> to vector<512x128xf32>
    %sub3A_698 = arith.subf %sub3A_697, %slice3A_696 : vector<512x128xf32>
    %slice3A_699 = vector.extract_strided_slice %get3A_10 {offsets = [0, 7936], sizes = [1, 128], strides = [1, 1]} : vector<1x8192xf32> to vector<1x128xf32>
    %add3A_700 = vector.broadcast %slice3A_699 : vector<1x128xf32> to vector<512x128xf32>
    %add3A_701 = arith.addf %sub3A_698, %add3A_700 : vector<512x128xf32>
    %lt3A_702 = arith.cmpf olt, %add3A_701, %select_n3A_692 : vector<512x128xf32>
    %select_n3A_703 = arith.select %lt3A_702, %add3A_701, %select_n3A_692 : vector<512x128xi1>, vector<512x128xf32>
    %jit3A_704 = arith.constant 30 : i32
    %broadcast_in_dim3A_705 = vector.broadcast %jit3A_704 : i32 to vector<512x128xi32>
    %select_n3A_706 = arith.select %lt3A_702, %broadcast_in_dim3A_705, %select_n3A_695 : vector<512x128xi1>, vector<512x128xi32>
    %slice3A_707 = vector.extract_strided_slice %dot_general3A_11 {offsets = [0, 8064], sizes = [512, 128], strides = [1, 1]} : vector<512x8192xf32> to vector<512x128xf32>
    %sub3A_708 = vector.broadcast %get3A_7 : vector<512x1xf32> to vector<512x128xf32>
    %sub3A_709 = arith.subf %sub3A_708, %slice3A_707 : vector<512x128xf32>
    %slice3A_710 = vector.extract_strided_slice %get3A_10 {offsets = [0, 8064], sizes = [1, 128], strides = [1, 1]} : vector<1x8192xf32> to vector<1x128xf32>
    %add3A_711 = vector.broadcast %slice3A_710 : vector<1x128xf32> to vector<512x128xf32>
    %add3A_712 = arith.addf %sub3A_709, %add3A_711 : vector<512x128xf32>
    %lt3A_713 = arith.cmpf olt, %add3A_712, %select_n3A_703 : vector<512x128xf32>
    %select_n3A_714 = arith.select %lt3A_713, %add3A_712, %select_n3A_703 : vector<512x128xi1>, vector<512x128xf32>
    %jit3A_715 = arith.constant 31 : i32
    %broadcast_in_dim3A_716 = vector.broadcast %jit3A_715 : i32 to vector<512x128xi32>
    %select_n3A_717 = arith.select %lt3A_713, %broadcast_in_dim3A_716, %select_n3A_706 : vector<512x128xi1>, vector<512x128xi32>
    %reduce_min3A_718 = arith.constant dense<0x7F800000> : vector<512xf32>
    %reduce_min3A_719 = vector.multi_reduction <minimumf>, %select_n3A_714, %reduce_min3A_718 [1] : vector<512x128xf32> to vector<512xf32>
    %broadcast_in_dim3A_720 = vector.shape_cast %reduce_min3A_719 : vector<512xf32> to vector<512x1xf32>
    %mul3A_721 = arith.constant 128 : i32
    %mul3A_722 = vector.broadcast %mul3A_721 : i32 to vector<512x128xi32>
    %mul3A_723 = arith.muli %select_n3A_717, %mul3A_722 : vector<512x128xi32>
    %add3A_724 = arith.addi %mul3A_723, %iota3A : vector<512x128xi32>
    %eq3A_725 = vector.broadcast %broadcast_in_dim3A_720 : vector<512x1xf32> to vector<512x128xf32>
    %eq3A_726 = arith.cmpf oeq, %select_n3A_714, %eq3A_725 : vector<512x128xf32>
    %jit3A_727 = arith.constant 4096 : i32
    %broadcast_in_dim3A_728 = vector.broadcast %jit3A_727 : i32 to vector<512x128xi32>
    %select_n3A_729 = arith.select %eq3A_726, %add3A_724, %broadcast_in_dim3A_728 : vector<512x128xi1>, vector<512x128xi32>
    %reduce_min3A_730 = arith.constant dense<2147483647> : vector<512xi32>
    %reduce_min3A_731 = vector.multi_reduction <minsi>, %select_n3A_729, %reduce_min3A_730 [1] : vector<512x128xi32> to vector<512xi32>
    %broadcast_in_dim3A_732 = vector.shape_cast %reduce_min3A_731 : vector<512xi32> to vector<512x1xi32>
    %add3A_733 = arith.constant 4096 : i32
    %add3A_734 = vector.broadcast %add3A_733 : i32 to vector<512x1xi32>
    %add3A_735 = arith.addi %broadcast_in_dim3A_732, %add3A_734 : vector<512x1xi32>
    %convert_element_type3A = arith.truncf %broadcast_in_dim3A_355 : vector<512x1xf32> to vector<512x1xbf16>
    %convert_element_type3A_736 = arith.extf %convert_element_type3A : vector<512x1xbf16> to vector<512x1xf32>
    %lt3A_737 = arith.cmpf olt, %convert_element_type3A_736, %broadcast_in_dim3A_720 : vector<512x1xf32>
    %eq3A_738 = arith.cmpf oeq, %convert_element_type3A_736, %broadcast_in_dim3A_720 : vector<512x1xf32>
    %lt3A_739 = arith.cmpi slt, %add3A_368, %add3A_735 : vector<512x1xi32>
    %and3A = arith.andi %eq3A_738, %lt3A_739 : vector<512x1xi1>
    %or3A = arith.ori %lt3A_737, %and3A : vector<512x1xi1>
    %select_n3A_740 = arith.select %or3A, %add3A_368, %add3A_735 : vector<512x1xi1>, vector<512x1xi32>
    %select_n3A_741 = arith.select %or3A, %broadcast_in_dim3A_355, %broadcast_in_dim3A_720 : vector<512x1xi1>, vector<512x1xf32>
    %squeeze3A = vector.shape_cast %select_n3A_740 : vector<512x1xi32> to vector<512xi32>
    %swap3A = arith.constant 0 : index
    %swap3A_742 = arith.constant 0 : index
    %swap3A_743 = arith.constant 0 : index
    %swap3A_744 = vector.load %arg5[%swap3A, %swap3A_742, %swap3A_743] : memref<1x1x512xi32, #tpu.memory_space<vmem>>, vector<1x1x512xi32>
    %swap3A_745 = vector.shape_cast %swap3A_744 : vector<1x1x512xi32> to vector<512xi32>
    %swap3A_746 = vector.shape_cast %squeeze3A : vector<512xi32> to vector<1x1x512xi32>
    tpu.vector_store %arg5[%swap3A, %swap3A_742, %swap3A_743], %swap3A_746 {strides = array<i32>} : memref<1x1x512xi32, #tpu.memory_space<vmem>>, vector<1x1x512xi32>,
    %reduce_sum3A = vector.shape_cast %select_n3A_741 : vector<512x1xf32> to vector<1x512x1xf32>
    %reduce_sum3A_747 = arith.constant dense<0.000000e+00> : vector<1xf32>
    %reduce_sum3A_748 = vector.multi_reduction <add>, %reduce_sum3A, %reduce_sum3A_747 [1, 2] : vector<1x512x1xf32> to vector<1xf32>
    %reduce_sum3A_749 = vector.shape_cast %reduce_sum3A_748 : vector<1xf32> to vector<1x1x1xf32>
    %reduce_sum3A_750 = vector.extract %reduce_sum3A_749[0, 0, 0] : f32 from vector<1x1x1xf32>
    %reshape3A = vector.broadcast %reduce_sum3A_750 : f32 to vector<1x1xf32>
    %eq3A_751 = arith.constant 0 : i32
    %eq3A_752 = arith.cmpi eq, %arg0, %eq3A_751 : i32
    %convert_element_type3A_753 = arith.extui %eq3A_752 : i1 to i32
    %cond3A = arith.constant 0 : i32
    %cond3A_754 = arith.cmpi ne, %convert_element_type3A_753, %cond3A : i32
    scf.if %cond3A_754 {
      %swap3A_759 = arith.constant 0 : index
      %swap3A_760 = arith.constant 0 : index
      %swap3A_761 = vector.load %arg6[%swap3A_759, %swap3A_760] : memref<1x1xf32, #tpu.memory_space<vmem>>, vector<1x1xf32>
      tpu.vector_store %arg6[%swap3A_759, %swap3A_760], %reshape3A {strides = array<i32>} : memref<1x1xf32, #tpu.memory_space<vmem>>, vector<1x1xf32>,
    } else {
    }
    %ne3A = arith.constant 0 : i32
    %ne3A_755 = arith.cmpi ne, %arg0, %ne3A : i32
    %convert_element_type3A_756 = arith.extui %ne3A_755 : i1 to i32
    %cond3A_757 = arith.constant 0 : i32
    %cond3A_758 = arith.cmpi ne, %convert_element_type3A_756, %cond3A_757 : i32
    scf.if %cond3A_758 {
      %get3A_759 = arith.constant 0 : index
      %get3A_760 = arith.constant 0 : index
      %get3A_761 = vector.load %arg6[%get3A_759, %get3A_760] : memref<1x1xf32, #tpu.memory_space<vmem>>, vector<1x1xf32>
      %add3A_762 = arith.addf %get3A_761, %reshape3A : vector<1x1xf32>
      %swap3A_763 = arith.constant 0 : index
      %swap3A_764 = arith.constant 0 : index
      %swap3A_765 = vector.load %arg6[%swap3A_763, %swap3A_764] : memref<1x1xf32, #tpu.memory_space<vmem>>, vector<1x1xf32>
      tpu.vector_store %arg6[%swap3A_763, %swap3A_764], %add3A_762 {strides = array<i32>} : memref<1x1xf32, #tpu.memory_space<vmem>>, vector<1x1xf32>,
    } else {
    }
    return
  }
  func.func @transform_0(%arg0: i32) -> (i32, i32) {
    %c0_i32 = arith.constant 0 : i32
    %c0_i32_0 = arith.constant 0 : i32
    return %arg0, %c0_i32 : i32, i32
  }
  func.func @transform_1(%arg0: i32) -> (i32, i32) {
    %c0_i32 = arith.constant 0 : i32
    %c0_i32_0 = arith.constant 0 : i32
    %c0_i32_1 = arith.constant 0 : i32
    return %c0_i32, %c0_i32_0 : i32, i32
  }
  func.func @transform_2(%arg0: i32) -> (i32, i32) {
    %c0_i32 = arith.constant 0 : i32
    %c0_i32_0 = arith.constant 0 : i32
    return %arg0, %c0_i32 : i32, i32
  }
  func.func @transform_3(%arg0: i32) -> (i32, i32) {
    %c0_i32 = arith.constant 0 : i32
    %c0_i32_0 = arith.constant 0 : i32
    %c0_i32_1 = arith.constant 0 : i32
    return %c0_i32, %c0_i32_0 : i32, i32
  }
  func.func @transform_4(%arg0: i32) -> (i32, i32, i32) {
    %c0_i32 = arith.constant 0 : i32
    %c0_i32_0 = arith.constant 0 : i32
    %c0_i32_1 = arith.constant 0 : i32
    return %arg0, %c0_i32, %c0_i32_0 : i32, i32, i32
  }
  func.func @transform_5(%arg0: i32) -> (i32, i32) {
    %c0_i32 = arith.constant 0 : i32
    %c0_i32_0 = arith.constant 0 : i32
    %c0_i32_1 = arith.constant 0 : i32
    return %c0_i32, %c0_i32_0 : i32, i32
  }
}

</mosaic_0001>

<sc_bundles>
// kernel: kernel.4.cloned.1.call-start
scs
__scs_entry_jumppad:
0x0: {  	(pc) =	sbr.rel $0x88, $3  }
0x1: {  	(tag) =	ssettag $0x0;
	lr =	simm.s32 $0x1  }
0x2: {  	[smem:$0x3F9F] =	sst lr;
	_ =	strace $0xD0000000  }
0x3: {  	_ = 	snop  }
0x4: {  	_ = 	snop  }
0x5: {  	_ = 	snop  }
0x6: {  	_ = 	snop  }
0x7: {  	_ = 	snop  }
__scs_overlays_trampoline_lowered:
0x8: {  	[smem:$0x3FAE] =	sst s0  }
0x9: {  	[smem:$0x3FAF] =	sst s1  }
0xa: {  	[smem:$0x3FB0] =	sst s2  }
0xb: {  	[smem:$0x3FB1] =	sst s3  }
0xc: {  	[smem:$0x3FB2] =	sst s4  }
0xd: {  	[smem:$0x3FB3] =	sst s5  }
0xe: {  	[smem:$0x3FB4] =	sst s6  }
0xf: {  	[smem:$0x3FB5] =	sst s7  }
0x10: {  	[smem:$0x3FB6] =	sst s8  }
0x11: {  	[smem:$0x3FB7] =	sst s9;
	s0 =	simm.s32 @!p0 $0x0  }
0x12: {  	s1 =	sld [smem:$0x3F9D];
	s0 =	simm.s32 @p0 $0x1  }
0x13: {  	[smem:$0x3FB8] =	sst s0;
	s0 =	simm.s32 @!p1 $0x0  }
0x14: {  	s2 =	sld [smem:$0x3F9C];
	s0 =	simm.s32 @p1 $0x1  }
0x15: {  	[smem:$0x3FB9] =	sst s0;
	s0 =	simm.s32 @!p2 $0x0  }
0x16: {  	s3 =	sld [smem:$0x3FDB];
	s0 =	simm.s32 @p2 $0x1  }
0x17: {  	s4 =	simm.s32 $0x1BF5;
	[smem:$0x3FBB] =	sst s0  }
0x18: {  	s0 =	sld [smem:$0x3F9E];
	_ =	swait.ge [sflag:s4], $0x0  }
0x19: {  	s7 =	sld [smem:$0x3F9F]  }
0x1a: {  	s8 =	sadd.s32 $0xFFFFE003, lr  }
0x1b: {  	s9 =	sadd.s32 $0xFFFFFEF7, lr;
	s5 =	simm.s32 $0xFFFFFFFF;
	p2 =	slt.u32 s8, $0xFFFFF086  }
0x1c: {  	p1 =	slt.u32 s9, $0xF7A;
	s5 =	simm.s32 @!p2 $0x0  }
0x1d: {  	s5 =	simm.s32 @p1 $0x1;
	p0 =	seq.s32 s7, s2  }
0x1e: {  	s7 =	smul.u32 @!p0 $0xF7A, s2;
	p2 =	seq.s32 @!p0 s5, $0x0  }
0x1f: {  	s9 =	smul.u32 $0xF7A, s1;
	s8 =	simm.s32 @!p0 $0x1BF5;
	p2 =	por !p2, p0  }
0x20: {  	[sflag:s8] =	ssyncset.s32 @!p0 $0xFFFFF086;
	s6 =	sadd.s32 @!p0 s3, s7;
	s7 =	simm.s32 @!p0 $0x108  }
0x21: {  	s3 =	sadd.s32 s3, s9;
	s6 =	sadd.s32 @!p0 $0x88, s6;
	s7 =	simm.s32 @p2 $0x1082  }
0x22: {  	[simem:s7], [sflag:s8] =	dma.local @!p0 [hbm:s6], $0xF7A  }
0x23: {  	s9 =	sor.u32 $0xD0000000, s2;
	s6 =	simm.s32 $0x108;
	_ =	swait.ge @!p0 [sflag:s8], $0x0  }
0x24: {  	s3 =	sadd.s32 $0x88, s3;
	s6 =	simm.s32 @!p1 $0x1082;
	[sflag:s4] =	ssyncset.s32 $0xFFFFF086  }
0x25: {  	[simem:s6], [sflag:s4] =	dma.local [hbm:s3], $0xF7A  }
0x26: {  	[smem:$0x3F9F] =	sst s1;
	(tag) =	ssettag s2;
	_ =	strace s9  }
0x27: {  	s1 =	sld [smem:$0x3FAF]  }
0x28: {  	s2 =	sld [smem:$0x3FB0]  }
0x29: {  	s4 =	sld [smem:$0x3FB2]  }
0x2a: {  	p0 =	seq.s32 s5, $0x0;
	s5 =	sld [smem:$0x3FB3]  }
0x2b: {  	s6 =	sld [smem:$0x3FB4]  }
0x2c: {  	s7 =	sld [smem:$0x3FB5]  }
0x2d: {  	s3 =	simm.s32 $0x108;
	s8 =	sld [smem:$0x3FB6]  }
0x2e: {  	s3 =	simm.s32 @!p0 $0x1082;
	s9 =	sld [smem:$0x3FB7]  }
0x2f: {  	lr =	sadd.s32 s0, s3;
	s0 =	sld [smem:$0x3FAE]  }
0x30: {  	s3 =	sld [smem:$0x3FB1]  }
0x31: {  	[smem:$0x3FBA] =	sst s10  }
0x32: {  	s10 =	sld [smem:$0x3FB8];
	_ =	sdelay $0x3  }
0x33: {  	p0 =	seq.s32 s10, $0x1;
	s10 =	sld [smem:$0x3FBA];
	_ =	sdelay $0x3  }
0x34: {  	[smem:$0x3FBA] =	sst s10  }
0x35: {  	s10 =	sld [smem:$0x3FB9];
	_ =	sdelay $0x3  }
0x36: {  	p1 =	seq.s32 s10, $0x1;
	s10 =	sld [smem:$0x3FBA];
	_ =	sdelay $0x3  }
0x37: {  	[smem:$0x3FBA] =	sst s10  }
0x38: {  	s10 =	sld [smem:$0x3FBB]  }
0x39: {  	_ = 	snop;
	(pc) =	sbr.ind lr, $3  }
0x3a: {  	_ = 	snop  }
0x3b: {  	_ = 	snop  }
0x3c: {  	p2 =	seq.s32 s10, $0x1;
	s10 =	sld [smem:$0x3FBA]  }
0x3d: {  	_ =	shalt  }
0x3e: {  	_ =	shalt  }
0x3f: {  	_ =	shalt  }
0x40: {  	_ =	shalt  }
0x41: {  	_ =	shalt  }
0x42: {  	_ =	shalt  }
0x43: {  	_ =	shalt  }
0x44: {  	_ =	shalt  }
0x45: {  	_ =	shalt  }
0x46: {  	_ =	shalt  }
0x47: {  	_ =	shalt  }
0x48: {  	_ =	shalt  }
0x49: {  	_ =	shalt  }
0x4a: {  	_ =	shalt  }
0x4b: {  	_ =	shalt  }
0x4c: {  	_ =	shalt  }
0x4d: {  	_ =	shalt  }
0x4e: {  	_ =	shalt  }
0x4f: {  	_ =	shalt  }
0x50: {  	_ =	shalt  }
0x51: {  	_ =	shalt  }
0x52: {  	_ =	shalt  }
0x53: {  	_ =	shalt  }
0x54: {  	_ =	shalt  }
0x55: {  	_ =	shalt  }
0x56: {  	_ =	shalt  }
0x57: {  	_ =	shalt  }
0x58: {  	_ =	shalt  }
0x59: {  	_ =	shalt  }
0x5a: {  	_ =	shalt  }
0x5b: {  	_ =	shalt  }
0x5c: {  	_ =	shalt  }
0x5d: {  	_ =	shalt  }
0x5e: {  	_ =	shalt  }
0x5f: {  	_ =	shalt  }
0x60: {  	_ =	shalt  }
0x61: {  	_ =	shalt  }
0x62: {  	_ =	shalt  }
0x63: {  	_ =	shalt  }
0x64: {  	_ =	shalt  }
0x65: {  	_ =	shalt  }
0x66: {  	_ =	shalt  }
0x67: {  	_ =	shalt  }
0x68: {  	_ =	shalt  }
0x69: {  	_ =	shalt  }
0x6a: {  	_ =	shalt  }
0x6b: {  	_ =	shalt  }
0x6c: {  	_ =	shalt  }
0x6d: {  	_ =	shalt  }
0x6e: {  	_ =	shalt  }
0x6f: {  	_ =	shalt  }
0x70: {  	_ =	shalt  }
0x71: {  	_ =	shalt  }
0x72: {  	_ =	shalt  }
0x73: {  	_ =	shalt  }
0x74: {  	_ =	shalt  }
0x75: {  	_ =	shalt  }
0x76: {  	_ =	shalt  }
0x77: {  	_ =	shalt  }
0x78: {  	_ =	shalt  }
0x79: {  	_ =	shalt  }
0x7a: {  	_ =	shalt  }
0x7b: {  	_ =	shalt  }
0x7c: {  	_ =	shalt  }
0x7d: {  	_ =	shalt  }
0x7e: {  	_ =	shalt  }
0x7f: {  	_ =	shalt  }
0x80: {  	_ =	shalt  }
0x81: {  	_ =	shalt  }
0x82: {  	_ =	shalt  }
0x83: {  	_ =	shalt  }
0x84: {  	_ =	shalt  }
0x85: {  	_ =	shalt  }
0x86: {  	_ =	shalt  }
0x87: {  	_ =	shalt  }
.Lfunc_end0:
.L_simem_size_0:
called_computation_lowered:
.L_overlay_start_0:
0x88: {  	s2 =	sld [smem:$0x3FD9]  }
0x89: {  	s3 =	sld [smem:$0x3FFE];
	_ =	sdelay $0x1  }
0x8a: {  	s1 =	srdreg.scid  }
0x8b: {  	s0 =	sand.u32 $0x1, s1  }
0x8c: {  	s14 =	sshll.u32 s0, $0xA;
	s2 =	sadd.s32 s3, s2  }
0x8d: {  	s2 =	sadd.s32 s2, s14  }
0x8e: {  	[smem:$0x3FC6] =	sst s2  }
0x8f: {  	_ = 	snop  }
0x90: {  	s2 =	sld [smem:$0x3FD0];
	_ =	sdelay $0x2  }
0x91: {  	s15 =	simm.s32 $0xA;
	s4 =	simm.s32 $0x10  }
0x92: {  	[smem:s4], [sflag:s15] =	dma.local [hbm:s2], $0x1  }
0x93: {  	_ =	swait.eq [sflag:s15], $0x1  }
0x94: {  	[sflag:s15] =	ssyncset.done $0x0  }
0x95: {  	[sflag:s15] =	ssyncadd.s32 $0xFFFFFFFF  }
0x96: {  	s16 =	sld [smem:$0x10];
	(tm) =	ssettm $0x1  }
0x97: {  	s17 =	sld [smem:$0x3FFB];
	_ =	sdelay $0x3  }
0x98: {  	_ =	strace s17  }
0x99: {  	s3 =	sld [smem:$0x3FFC];
	_ =	sdelay $0x3  }
0x9a: {  	_ =	strace s3  }
0x9b: {  	s3 =	sld [smem:$0x3FFD];
	_ =	sdelay $0x3  }
0x9c: {  	_ =	strace s3  }
0x9d: {  	_ =	strace $0x8FFFFFFF  }
0x9e: {  	s18 =	sld [smem:$0x3FDB];
	_ =	sdelay $0x1  }
0x9f: {  	s19 =	simm.s32 $_scs_section_size  }
0xa0: {  	s5 =	simm.s32 $_size__tile_overlayer_lowered;
	s6 =	simm.s32 $_tile_overlayer_lowered  }
0xa1: {  	s22 =	simm.s32 $0x1BFF;
	s21 =	sshll.u32 s6, $0x1;
	s3 =	sadd.s32 s19, s18  }
0xa2: {  	s7 =	simm.s32 $0x0;
	s20 =	sshll.u32 s5, $0x1;
	s5 =	sadd.s32 s21, s3  }
0xa3: {  	[timem:s7], [sflag:s22] =	dma.local [hbm:s5], s20  }
0xa4: {  	_ =	swait.ge [sflag:s22], s20  }
0xa5: {  	s4 =	ssub.s32 $0x0, s20;
	[sflag:s22] =	ssyncset.done $0x0  }
0xa6: {  	[sflag:s22] =	ssyncadd.s32 s4;
	_ =	sdelay $0x1  }
0xa7: {  	s23 =	simm.s32 $0x1B8B  }
0xa8: {  	_ =	swait.ge [sflag:s23], $0x1  }
0xa9: {  	[sflag:s23] =	ssyncset.done $0x0  }
0xaa: {  	s25 =	simm.s32 $0x1B8E;
	s24 =	sld [smem:$0x3FFE];
	[sflag:s23] =	ssyncadd.s32 $0xFFFFFFFF  }
0xab: {  	s26 =	simm.s32 $execute0_lowered;
	[smem:$0x3FD2] =	sst s25  }
0xac: {  	s5 =	sshll.u32 s26, $0x1;
	_ =	strace $0x80000046;
	[dreg:$0x1] =	wrdreg $0xFFFFFFFF  }
0xad: {  	s28 =	simm.s32 $_size_execute0_lowered;
	s3 =	sadd.s32 s3, s5;
	[dreg:$0x0] =	wrdreg $0x0  }
0xae: {  	s5 =	sshll.u32 s28, $0x1;
	[dreg:$0x2] =	wrdreg s3  }
0xaf: {  	[dreg:$0x3] =	wrdreg s5  }
0xb0: {  	[dreg:$0x4] =	wrdreg $0xC0  }
0xb1: {  	_ =	task [dreg:s7], $0x5FFFF  }
0xb2: {  	[dreg:$0x1] =	wrdreg $0xFFFFFFFF  }
0xb3: {  	[dreg:$0x0] =	wrdreg $0x60  }
0xb4: {  	[dreg:$0x2] =	wrdreg s24  }
0xb5: {  	[dreg:$0x3] =	wrdreg s16  }
0xb6: {  	[dreg:$0x4] =	wrdreg $0x9  }
0xb7: {  	_ =	task.clear_ibuf [dreg:s7], $0x5FFFF;
	_ =	strace $0x90000046  }
0xb8: {  	s29 =	simm.s32 $0x9;
	_ =	strace $0x8000004F  }
0xb9: {  	_ =	swait.ge [sflag:s29], $0x1  }
0xba: {  	[sflag:s29] =	ssyncadd.s32 $0xFFFFFFFF  }
0xbb: {  	_ =	strace $0x9000004F  }
0xbc: {  	_ =	sfence  }
0xbd: {  	s30 =	sld [smem:$0x0];
	_ =	sdelay $0x2  }
0xbe: {  	s31 =	sshll.u32 s1, $0xD;
	s1 =	sshrl.u32 s1, $0x2  }
0xbf: {  	s3 =	sand.u32 $0x4000, s31;
	s1 =	sadd.s32 s1, s30  }
0xc0: {  	s0 =	sor.u32 s3, s0;
	s1 =	sshll.u32 s1, $0x11  }
0xc1: {  	s0 =	sor.u32 s1, s0  }
0xc2: {  	s0 =	sadd.s32 $0x8F2B, s0  }
0xc3: {  	[sflag:s0] =	ssyncadd.remote.s32 $0x1  }
0xc4: {  	_ =	sfence.sel $0xFFFF  }
0xc5: {  	[dreg:$0x0] =	wrdreg $0xFFFFFFFF;
	(pc) =	sbr.abs _section_cstart, $3  }
0xc6: {  	[dreg:$0x1] =	wrdreg $0xFFFFFFFF  }
0xc7: {  	_ =	task.clear_ibuf [dreg:s7], $0x2FFFF;
	_ =	strace $0x9FFFFFFF  }
0xc8: {  	(tm) =	ssettm $0x7FFFFFFF  }
0xc9: {  	_ =	shalt  }
tec
execute0_lowered:
.L_overlay_start_1:
0x0: {  	(tag) =	ssettag $0x1  }
0x1: {  	s10 =	rddreg [dreg:$0x0];
	s1 =	srdreg.scid  }
0x2: {  	s3 =	rddreg [dreg:$0x1];
	s20 =	sand.u32 $0x1, s1  }
0x3: {  	s2 =	simm.s32 $0x0;
	s1 =	stileid.u32;
	s4 =	sshll.u32 s20, $0x4  }
0x4: {  	[smem:$0x7FF] =	sst s2;
	s11 =	sor.u32 s1, s4  }
0x5: {  	s0 =	rddreg [dreg:$0x2];
	_ =	strace $0x80000047;
	s4 =	sshll.u32 s11, $0x6  }
0x6: {  	_ =	strace $0x80000048;
	s3 =	sadd.s32 s3, s4  }
0x7: {  	[tilespmem:s2], [sflag:$0x1] =	stream.linear.gather [hbm4b:s3+s2], $0x80, $0x200038;
	[tilespmem:$0x8100] =	vst v63  }
0x8: {  	_ =	strace $0x90000048  }
0x9: {  	s5 =	simm.s32 $0x80;
	s4 =	sadd.s32 $0x10, s3;
	_ =	strace $0x80000049  }
0xa: {  	[tilespmem:s5], [sflag:$0x2] =	stream.linear.gather [hbm4b:s4+s2], $0x80, $0x200038;
	[tilespmem:$0x8100] =	vst v63  }
0xb: {  	_ =	strace $0x90000049  }
0xc: {  	s6 =	simm.s32 $0x1;
	_ =	strace $0x8000004A  }
0xd: {  	_ =	swait.ge [sflag:s6], $0x80  }
0xe: {  	[sflag:s6] =	ssyncset.done $0x0  }
0xf: {  	[sflag:s6] =	ssyncadd.s32 $0xFFFFFF80  }
0x10: {  	s8 =	simm.s32 $0x100;
	_ =	strace $0x9000004A  }
0x11: {  	s9 =	simm.s32 $0x5;
	s7 =	sadd.s32 $0x200, s10;
	_ =	strace $0x8000004B  }
0x12: {  	[tilespmem:s8], [sflag:$0x5] =	stream.indirect.gather [hbm4b:s7+s5], $0x80, s2, s5, $0x2000b8;
	[tilespmem:$0x8100] =	vst v63  }
0x13: {  	_ =	swait.ge [sflag:s9], $0x4000  }
0x14: {  	[sflag:s9] =	ssyncset.done $0x0  }
0x15: {  	s11 =	sshll.u32 s11, $0xD;
	[sflag:s9] =	ssyncadd.s32 $0xFFFFC000  }
0x16: {  	s19 =	sadd.s32 s11, s10;
	_ =	strace $0x9000004B  }
0x17: {  	s10 =	sadd.s32 $0x20200, s19;
	_ =	strace $0x8000004C  }
0x18: {  	[hbm4b:s10+s2] =	stream.linear.scatter [tilespmem:s8], [sflag:$0x3], $0x4000, $0x200038;
	[tilespmem:$0x8100] =	vst v63  }
0x19: {  	_ =	strace $0x9000004C  }
0x1a: {  	s11 =	sadd.s32 $0x20, s3;
	_ =	strace $0x80000049  }
0x1b: {  	[tilespmem:s2], [sflag:$0x1] =	stream.linear.gather [hbm4b:s11+s2], $0x80, $0x200038;
	[tilespmem:$0x8100] =	vst v63  }
0x1c: {  	_ =	strace $0x90000049  }
0x1d: {  	s12 =	simm.s32 $0x2;
	_ =	strace $0x8000004A  }
0x1e: {  	_ =	swait.ge [sflag:s12], $0x80  }
0x1f: {  	[sflag:s12] =	ssyncset.done $0x0  }
0x20: {  	[sflag:s12] =	ssyncadd.s32 $0xFFFFFF80  }
0x21: {  	_ =	strace $0x9000004A  }
0x22: {  	s13 =	simm.s32 $0x4100;
	_ =	strace $0x8000004B  }
0x23: {  	[tilespmem:s13], [sflag:$0x5] =	stream.indirect.gather [hbm4b:s7+s5], $0x80, s5, s5, $0x2000b8;
	[tilespmem:$0x8100] =	vst v63  }
0x24: {  	_ =	swait.ge [sflag:s9], $0x4000  }
0x25: {  	[sflag:s9] =	ssyncset.done $0x0  }
0x26: {  	[sflag:s9] =	ssyncadd.s32 $0xFFFFC000  }
0x27: {  	_ =	strace $0x9000004B  }
0x28: {  	s14 =	sadd.s32 $0x20A00, s19;
	_ =	strace $0x8000004C  }
0x29: {  	[hbm4b:s14+s2] =	stream.linear.scatter [tilespmem:s13], [sflag:$0x4], $0x4000, $0x200038;
	[tilespmem:$0x8100] =	vst v63  }
0x2a: {  	_ =	strace $0x9000004C  }
0x2b: {  	s15 =	simm.s32 $0x3;
	_ =	strace $0x8000004D  }
0x2c: {  	_ =	swait.ge [sflag:s15], $0x4000  }
0x2d: {  	[sflag:s15] =	ssyncset.done $0x0  }
0x2e: {  	[sflag:s15] =	ssyncadd.s32 $0xFFFFC000  }
0x2f: {  	_ =	strace $0x9000004D  }
0x30: {  	s16 =	sadd.s32 $0x30, s3;
	_ =	strace $0x80000049  }
0x31: {  	[tilespmem:s5], [sflag:$0x2] =	stream.linear.gather [hbm4b:s16+s2], $0x80, $0x200038;
	[tilespmem:$0x8100] =	vst v63  }
0x32: {  	_ =	strace $0x90000049  }
0x33: {  	_ =	strace $0x8000004A  }
0x34: {  	_ =	swait.ge [sflag:s6], $0x80  }
0x35: {  	[sflag:s6] =	ssyncset.done $0x0  }
0x36: {  	[sflag:s6] =	ssyncadd.s32 $0xFFFFFF80  }
0x37: {  	_ =	strace $0x9000004A  }
0x38: {  	_ =	strace $0x8000004B  }
0x39: {  	[tilespmem:s8], [sflag:$0x5] =	stream.indirect.gather [hbm4b:s7+s5], $0x80, s2, s5, $0x2000b8;
	[tilespmem:$0x8100] =	vst v63  }
0x3a: {  	_ =	swait.ge [sflag:s9], $0x4000  }
0x3b: {  	[sflag:s9] =	ssyncset.done $0x0  }
0x3c: {  	[sflag:s9] =	ssyncadd.s32 $0xFFFFC000  }
0x3d: {  	_ =	strace $0x9000004B  }
0x3e: {  	s17 =	sadd.s32 $0x21200, s19;
	_ =	strace $0x8000004C  }
0x3f: {  	[hbm4b:s17+s2] =	stream.linear.scatter [tilespmem:s8], [sflag:$0x3], $0x4000, $0x200038;
	[tilespmem:$0x8100] =	vst v63  }
0x40: {  	_ =	strace $0x9000004C  }
0x41: {  	s18 =	simm.s32 $0x4;
	_ =	strace $0x8000004D  }
0x42: {  	_ =	swait.ge [sflag:s18], $0x4000  }
0x43: {  	[sflag:s18] =	ssyncset.done $0x0  }
0x44: {  	[sflag:s18] =	ssyncadd.s32 $0xFFFFC000  }
0x45: {  	_ =	strace $0x9000004D  }
0x46: {  	_ =	strace $0x8000004A  }
0x47: {  	_ =	swait.ge [sflag:s12], $0x80  }
0x48: {  	[sflag:s12] =	ssyncset.done $0x0  }
0x49: {  	[sflag:s12] =	ssyncadd.s32 $0xFFFFFF80  }
0x4a: {  	_ =	strace $0x9000004A  }
0x4b: {  	_ =	strace $0x8000004B  }
0x4c: {  	[tilespmem:s13], [sflag:$0x5] =	stream.indirect.gather [hbm4b:s7+s5], $0x80, s5, s5, $0x2000b8;
	[tilespmem:$0x8100] =	vst v63  }
0x4d: {  	_ =	swait.ge [sflag:s9], $0x4000  }
0x4e: {  	[sflag:s9] =	ssyncset.done $0x0  }
0x4f: {  	[sflag:s9] =	ssyncadd.s32 $0xFFFFC000  }
0x50: {  	_ =	strace $0x9000004B  }
0x51: {  	s19 =	sadd.s32 $0x21A00, s19;
	_ =	strace $0x8000004C  }
0x52: {  	[hbm4b:s19+s2] =	stream.linear.scatter [tilespmem:s13], [sflag:$0x4], $0x4000, $0x200038;
	[tilespmem:$0x8100] =	vst v63  }
0x53: {  	s20 =	ssub.s32 $0x2, s20;
	_ =	strace $0x9000004C  }
0x54: {  	s21 =	sshrl.u32 s20, $0x1;
	_ =	strace $0x8000004D  }
0x55: {  	s20 =	ssub.s32 s20, s21;
	_ =	swait.ge [sflag:s15], $0x4000  }
0x56: {  	s20 =	smax.u32 s20, $0x1;
	[sflag:s15] =	ssyncset.done $0x0  }
0x57: {  	p0 =	sne.s32 s20, $0x1;
	[sflag:s15] =	ssyncadd.s32 $0xFFFFC000  }
.Ltmp0:
0x58: {  	_ =	strace $0x9000004D;
	(pc) =	sbr.rel @!p0 .LBB2_2-.Ltmp0, $4  }
0x59: {  	_ =	strace $0x8000004E  }
0x5a: {  	_ =	swait.ge [sflag:s18], $0x4000  }
0x5b: {  	[sflag:s18] =	ssyncset.done $0x0  }
0x5c: {  	s20 =	sadd.s32 $0xFFFFFFFF, s20;
	[sflag:s18] =	ssyncadd.s32 $0xFFFFC000  }
.LBB2_1:
0x5d: {  	p0 =	sne.s32 s20, $0x1;
	s20 =	sadd.s32 $0xFFFFFFFF, s20;
	_ =	strace $0x9000004E  }
0x5e: {  	_ =	strace $0x80000048  }
0x5f: {  	[tilespmem:s2], [sflag:$0x1] =	stream.linear.gather [hbm4b:s3+s2], $0x80, $0x200038;
	[tilespmem:$0x8100] =	vst v63  }
0x60: {  	_ =	strace $0x90000048  }
0x61: {  	_ =	strace $0x80000049  }
0x62: {  	[tilespmem:s5], [sflag:$0x2] =	stream.linear.gather [hbm4b:s4+s2], $0x80, $0x200038;
	[tilespmem:$0x8100] =	vst v63  }
0x63: {  	_ =	strace $0x90000049  }
0x64: {  	_ =	strace $0x8000004A  }
0x65: {  	_ =	swait.ge [sflag:s6], $0x80  }
0x66: {  	[sflag:s6] =	ssyncset.done $0x0  }
0x67: {  	[sflag:s6] =	ssyncadd.s32 $0xFFFFFF80  }
0x68: {  	_ =	strace $0x9000004A  }
0x69: {  	_ =	strace $0x8000004B  }
0x6a: {  	[tilespmem:s8], [sflag:$0x5] =	stream.indirect.gather [hbm4b:s7+s5], $0x80, s2, s5, $0x2000b8;
	[tilespmem:$0x8100] =	vst v63  }
0x6b: {  	_ =	swait.ge [sflag:s9], $0x4000  }
0x6c: {  	[sflag:s9] =	ssyncset.done $0x0  }
0x6d: {  	[sflag:s9] =	ssyncadd.s32 $0xFFFFC000  }
0x6e: {  	_ =	strace $0x9000004B  }
0x6f: {  	_ =	strace $0x8000004C  }
0x70: {  	[hbm4b:s10+s2] =	stream.linear.scatter [tilespmem:s8], [sflag:$0x3], $0x4000, $0x200038;
	[tilespmem:$0x8100] =	vst v63  }
0x71: {  	_ =	strace $0x9000004C  }
0x72: {  	_ =	strace $0x80000049  }
0x73: {  	[tilespmem:s2], [sflag:$0x1] =	stream.linear.gather [hbm4b:s11+s2], $0x80, $0x200038;
	[tilespmem:$0x8100] =	vst v63  }
0x74: {  	_ =	strace $0x90000049  }
0x75: {  	_ =	strace $0x8000004A  }
0x76: {  	_ =	swait.ge [sflag:s12], $0x80  }
0x77: {  	[sflag:s12] =	ssyncset.done $0x0  }
0x78: {  	[sflag:s12] =	ssyncadd.s32 $0xFFFFFF80  }
0x79: {  	_ =	strace $0x9000004A  }
0x7a: {  	_ =	strace $0x8000004B  }
0x7b: {  	[tilespmem:s13], [sflag:$0x5] =	stream.indirect.gather [hbm4b:s7+s5], $0x80, s5, s5, $0x2000b8;
	[tilespmem:$0x8100] =	vst v63  }
0x7c: {  	_ =	swait.ge [sflag:s9], $0x4000  }
0x7d: {  	[sflag:s9] =	ssyncset.done $0x0  }
0x7e: {  	[sflag:s9] =	ssyncadd.s32 $0xFFFFC000  }
0x7f: {  	_ =	strace $0x9000004B  }
0x80: {  	_ =	strace $0x8000004C  }
0x81: {  	[hbm4b:s14+s2] =	stream.linear.scatter [tilespmem:s13], [sflag:$0x4], $0x4000, $0x200038;
	[tilespmem:$0x8100] =	vst v63  }
0x82: {  	_ =	strace $0x9000004C  }
0x83: {  	_ =	strace $0x8000004D  }
0x84: {  	_ =	swait.ge [sflag:s15], $0x4000  }
0x85: {  	[sflag:s15] =	ssyncset.done $0x0  }
0x86: {  	[sflag:s15] =	ssyncadd.s32 $0xFFFFC000  }
0x87: {  	_ =	strace $0x9000004D  }
0x88: {  	_ =	strace $0x80000049  }
0x89: {  	[tilespmem:s5], [sflag:$0x2] =	stream.linear.gather [hbm4b:s16+s2], $0x80, $0x200038;
	[tilespmem:$0x8100] =	vst v63  }
0x8a: {  	_ =	strace $0x90000049  }
0x8b: {  	_ =	strace $0x8000004A  }
0x8c: {  	_ =	swait.ge [sflag:s6], $0x80  }
0x8d: {  	[sflag:s6] =	ssyncset.done $0x0  }
0x8e: {  	[sflag:s6] =	ssyncadd.s32 $0xFFFFFF80  }
0x8f: {  	_ =	strace $0x9000004A  }
0x90: {  	_ =	strace $0x8000004B  }
0x91: {  	[tilespmem:s8], [sflag:$0x5] =	stream.indirect.gather [hbm4b:s7+s5], $0x80, s2, s5, $0x2000b8;
	[tilespmem:$0x8100] =	vst v63  }
0x92: {  	_ =	swait.ge [sflag:s9], $0x4000  }
0x93: {  	[sflag:s9] =	ssyncset.done $0x0  }
0x94: {  	[sflag:s9] =	ssyncadd.s32 $0xFFFFC000  }
0x95: {  	_ =	strace $0x9000004B  }
0x96: {  	_ =	strace $0x8000004C  }
0x97: {  	[hbm4b:s17+s2] =	stream.linear.scatter [tilespmem:s8], [sflag:$0x3], $0x4000, $0x200038;
	[tilespmem:$0x8100] =	vst v63  }
0x98: {  	_ =	strace $0x9000004C  }
0x99: {  	_ =	strace $0x8000004D  }
0x9a: {  	_ =	swait.ge [sflag:s18], $0x4000  }
0x9b: {  	[sflag:s18] =	ssyncset.done $0x0  }
0x9c: {  	[sflag:s18] =	ssyncadd.s32 $0xFFFFC000  }
0x9d: {  	_ =	strace $0x9000004D  }
0x9e: {  	_ =	strace $0x8000004A  }
0x9f: {  	_ =	swait.ge [sflag:s12], $0x80  }
0xa0: {  	[sflag:s12] =	ssyncset.done $0x0  }
0xa1: {  	[sflag:s12] =	ssyncadd.s32 $0xFFFFFF80  }
0xa2: {  	_ =	strace $0x9000004A  }
0xa3: {  	_ =	strace $0x8000004B  }
0xa4: {  	[tilespmem:s13], [sflag:$0x5] =	stream.indirect.gather [hbm4b:s7+s5], $0x80, s5, s5, $0x2000b8;
	[tilespmem:$0x8100] =	vst v63  }
0xa5: {  	_ =	swait.ge [sflag:s9], $0x4000  }
0xa6: {  	[sflag:s9] =	ssyncset.done $0x0  }
0xa7: {  	[sflag:s9] =	ssyncadd.s32 $0xFFFFC000  }
0xa8: {  	_ =	strace $0x9000004B  }
0xa9: {  	_ =	strace $0x8000004C  }
0xaa: {  	[hbm4b:s19+s2] =	stream.linear.scatter [tilespmem:s13], [sflag:$0x4], $0x4000, $0x200038;
	[tilespmem:$0x8100] =	vst v63  }
0xab: {  	_ =	strace $0x9000004C  }
0xac: {  	_ =	strace $0x8000004D  }
0xad: {  	_ =	swait.ge [sflag:s15], $0x4000  }
0xae: {  	[sflag:s15] =	ssyncset.done $0x0  }
0xaf: {  	[sflag:s15] =	ssyncadd.s32 $0xFFFFC000  }
.Ltmp1:
0xb0: {  	_ =	strace $0x9000004D;
	(pc) =	sbr.rel @p0 .LBB2_1-.Ltmp1, $4  }
0xb1: {  	_ =	strace $0x8000004E  }
0xb2: {  	_ =	swait.ge [sflag:s18], $0x4000  }
0xb3: {  	[sflag:s18] =	ssyncset.done $0x0  }
0xb4: {  	[sflag:s18] =	ssyncadd.s32 $0xFFFFC000  }
.LBB2_2:
0xb5: {  	_ =	strace $0x9000004E  }
0xb6: {  	_ =	sfence.sel $0x180000  }
0xb7: {  	[bflag:$0x0] =	sbarrier.arrive $0xFFFF  }
0xb8: {  	p0 =	sne.s32 s1, $0x0;
	_ =	strace $0x90000047  }
0xb9: {  	s0 =	sadd.s32 @!p0 $0x100000, s0;
	[bflag:$0x2] =	sbarrier.arrive $0xFFFF  }
0xba: {  	[sflag:s0] =	ssyncadd.tile.s32 @!p0 $0x1;
	_ =	shalt  }
.Lfunc_end2:
_tile_overlayer_lowered:
.L_overlay_start_2:
0xbb: {  	(tag) =	ssettag $0x2  }
0xbc: {  	s0 =	rddreg [dreg:$0x0];
	s2 =	stileid.u32  }
0xbd: {  	s1 =	rddreg [dreg:$0x1];
	p0 =	sne.s32 s2, $0x0  }
0xbe: {  	s3 =	rddreg [dreg:$0x2];
	[bflag:$0x3] =	sbarrier.arrive $0xFFFF;
	s2 =	simm.s32 @!p0 $0x1C01  }
0xbf: {  	[timem:s3], [sflag:s2] =	dma.local @!p0 [hbm:s0], s1  }
0xc0: {  	s0 =	simm.s32 @!p0 $0x1  }
0xc1: {  	_ =	swait.ge @!p0 [sflag:s0], s1  }
0xc2: {  	s1 =	ssub.s32 @!p0 $0x0, s1;
	[sflag:s0] =	ssyncset.done @!p0 $0x0  }
0xc3: {  	[sflag:s0] =	ssyncadd.s32 @!p0 s1  }
0xc4: {  	[bflag:$0x3] =	sbarrier.arrive $0xFFFF  }
0xc5: {  	_ =	shalt  }

</sc_bundles>
